<compile_context>
chip_gen: v7x
topology: tpu7x:2x2x1
jax: 0.10.2.dev20260603
libtpu: 0.0.44.dev20260713+nightly
codegen_flags: <defaults>
</compile_context>

<pallas_src>
import jax
import jax.numpy as jnp
from jax import lax
from jax.experimental import pallas as pl
from jax.experimental.pallas import tpu as pltpu
from jax.experimental.pallas import tpu_sc as plsc

N = 4096
D = 1024
K = 50
LW = 64
BLK = 256
MVC = 128


def _layer_body(x_ref, w_ref, b_ref, o_ref):
    h = jax.lax.dot_general(
        x_ref[...], w_ref[...], dimension_numbers=(((1,), (1,)), ((), ())),
        preferred_element_type=jnp.float32)
    h = h + b_ref[...]
    o_ref[...] = jnp.where(h >= 0, h, 0.01 * h)


def _matvec_body(x_ref, w_ref, b2_ref, o_ref):
    o_ref[...] = jax.lax.dot_general(
        x_ref[...], w_ref[...], dimension_numbers=(((1,), (1,)), ((), ())),
        preferred_element_type=jnp.float32) + b2_ref[0, 0]


NW = 32
CH = N // NW
SCL = 16


def _sel_body(s_hbm, outv_hbm, outi_hbm, s_v, lvp, lip, gsv, gsi, bv, bi):
    wid = lax.axis_index("c") * 16 + lax.axis_index("s")
    base = wid * CH
    neginf = jnp.float32(-jnp.inf)
    posinf = jnp.float32(jnp.inf)

    pltpu.sync_copy(s_hbm, s_v.at[pl.ds(0, N)])

    def _lmin():
        return lvp[pl.ds(64, SCL)][0]

    lane16 = lax.broadcasted_iota(jnp.int32, (SCL,), 0)
    lvp[pl.ds(0, SCL)] = jnp.where(lane16 == 0, posinf, neginf)
    lip[pl.ds(0, SCL)] = jnp.zeros((SCL,), jnp.int32)
    for q in range(1, 5):
        lvp[pl.ds(q * SCL, SCL)] = jnp.full((SCL,), neginf, jnp.float32)
        lip[pl.ds(q * SCL, SCL)] = jnp.zeros((SCL,), jnp.int32)

    def _insert(v, j):
        cur = [lvp[pl.ds(1 + SCL * q, SCL)] for q in range(4)]
        prv = [lvp[pl.ds(SCL * q, SCL)] for q in range(4)]
        curi = [lip[pl.ds(1 + SCL * q, SCL)] for q in range(4)]
        prvi = [lip[pl.ds(SCL * q, SCL)] for q in range(4)]
        for q in range(4):
            keep = jnp.logical_or(
                cur[q] > v, jnp.logical_and(cur[q] == v, curi[q] < j))
            ins = jnp.logical_or(
                prv[q] > v, jnp.logical_and(prv[q] == v, prvi[q] < j))
            nv = jnp.where(keep, cur[q], jnp.minimum(prv[q], v))
            ni = jnp.where(keep, curi[q], jnp.where(ins, j, prvi[q]))
            lvp[pl.ds(1 + SCL * q, SCL)] = nv
            lip[pl.ds(1 + SCL * q, SCL)] = ni

    def group_body(g, carry):
        vec = s_v[pl.ds(g * SCL, SCL)]
        sk, sv_idx = plsc.sort_key_val(vec, lane16 + g * SCL, descending=True)
        gsv[pl.ds(0, SCL)] = sk
        gsi[pl.ds(0, SCL)] = sv_idx

        def cond(e):
            return jnp.logical_and(e < SCL, gsv[pl.ds(e, SCL)][0] >= _lmin())

        def body(e):
            _insert(gsv[pl.ds(e, SCL)][0], gsi[pl.ds(e, SCL)][0])
            return e + 1

        lax.while_loop(cond, body, 0)
        return carry

    lax.fori_loop(0, base // SCL, group_body, 0)

    def row_body(r, carry):
        i = base + r
        si = s_v[pl.ds(i, SCL)][0]
        for q in range(4):
            vq = lvp[pl.ds(1 + SCL * q, SCL)]
            iq = lip[pl.ds(1 + SCL * q, SCL)]
            fin = jnp.where(vq == neginf, lane16 + SCL * q, iq)
            bv[pl.ds(r * LW + SCL * q, SCL)] = si + vq
            bi[pl.ds(r * LW + SCL * q, SCL)] = fin

        @pl.when(si > _lmin())
        def _():
            _insert(si, i)

        return carry

    lax.fori_loop(0, CH, row_body, 0)

    pltpu.sync_copy(bv, outv_hbm.at[pl.ds(base * LW, CH * LW)])
    pltpu.sync_copy(bi, outi_hbm.at[pl.ds(base * LW, CH * LW)])


def _layer(x, W, b):
    return pl.pallas_call(
        _layer_body,
        grid=(N // BLK,),
        in_specs=[
            pl.BlockSpec((BLK, D), lambda m: (m, 0)),
            pl.BlockSpec((D, D), lambda m: (0, 0)),
            pl.BlockSpec((1, D), lambda m: (0, 0)),
        ],
        out_specs=pl.BlockSpec((BLK, D), lambda m: (m, 0)),
        out_shape=jax.ShapeDtypeStruct((N, D), jnp.float32),
    )(x, W, b.reshape(1, D))


@jax.jit
def kernel(mentions, W0, b0, W1, b1, W2, b2):
    h = _layer(mentions, W0, b0)
    h = _layer(h, W1, b1)

    w2pad = jnp.zeros((MVC, D), jnp.float32).at[0].set(W2[0])
    sv = pl.pallas_call(
        _matvec_body,
        grid=(N // BLK,),
        in_specs=[
            pl.BlockSpec((BLK, D), lambda m: (m, 0)),
            pl.BlockSpec((MVC, D), lambda m: (0, 0)),
            pl.BlockSpec(memory_space=pltpu.SMEM),
        ],
        out_specs=pl.BlockSpec((BLK, MVC), lambda m: (m, 0)),
        out_shape=jax.ShapeDtypeStruct((N, MVC), jnp.float32),
    )(h, w2pad, b2.reshape(1, 1))

    s_flat = sv[:, 0]
    sel = pl.kernel(
        _sel_body,
        out_type=[
            jax.ShapeDtypeStruct((N * LW,), jnp.float32),
            jax.ShapeDtypeStruct((N * LW,), jnp.int32),
        ],
        mesh=plsc.VectorSubcoreMesh(core_axis_name="c", subcore_axis_name="s"),
        compiler_params=pltpu.CompilerParams(needs_layout_passes=False),
        scratch_types=[
            pltpu.VMEM((N + SCL,), jnp.float32),
            pltpu.VMEM((80,), jnp.float32),
            pltpu.VMEM((80,), jnp.int32),
            pltpu.VMEM((2 * SCL,), jnp.float32),
            pltpu.VMEM((2 * SCL,), jnp.int32),
            pltpu.VMEM((CH * LW,), jnp.float32),
            pltpu.VMEM((CH * LW,), jnp.int32),
        ],
    )
    outv, outi = sel(s_flat)
    outv = outv.reshape(N, LW)
    outi = outi.reshape(N, LW)

    return outv[:, :K], outi[:, :K]

# --- scband reference (transcript-rebuilt; emitter-appended) ---
"""Pipeline reference for scband-mention-detector-36060545417613 (READ-ONLY COPY).

The authoritative reference and input builder live on the scoring server;
editing this copy changes nothing except your own understanding.
"""

import jax, jax.numpy as jnp
import numpy as np

N = 4096
D_IN = 1024
D_H = 1024
K = 50

def setup_inputs(seed: int = 0) -> dict:
    key = jax.random.key(seed)
    ks = jax.random.split(key, 8)
    mentions = jax.random.normal(ks[0], (N, D_IN), dtype=jnp.float32)
    # MLP params: Linear(D_IN->D_H), Linear(D_H->D_H), Linear(D_H->1)
    W0 = jax.random.normal(ks[1], (D_H, D_IN), dtype=jnp.float32) * (1.0 / np.sqrt(D_IN))
    b0 = jnp.zeros((D_H,), dtype=jnp.float32)
    W1 = jax.random.normal(ks[2], (D_H, D_H), dtype=jnp.float32) * (1.0 / np.sqrt(D_H))
    b1 = jnp.zeros((D_H,), dtype=jnp.float32)
    W2 = jax.random.normal(ks[3], (1, D_H), dtype=jnp.float32) * (1.0 / np.sqrt(D_H))
    b2 = jnp.zeros((1,), dtype=jnp.float32)
    return {"mentions": mentions, "W0": W0, "b0": b0, "W1": W1, "b1": b1, "W2": W2, "b2": b2}

def reference(mentions, W0, b0, W1, b1, W2, b2):
    n = mentions.shape[0]
    # antecedent mask: valid only when i - j > 0 (j strictly before i)
    ar = jnp.arange(n)
    pair = ar[:, None] - ar[None, :]
    pair_mask = jnp.log((pair > 0).astype(jnp.float32))
    # MLP (eval mode: dropout is identity)
    h = jax.nn.leaky_relu(mentions @ W0.T + b0, negative_slope=0.01)
    h = jax.nn.leaky_relu(h @ W1.T + b1, negative_slope=0.01)
    mention_scores = (h @ W2.T + b2).squeeze(-1)  # [N]
    scores_tiled = jnp.tile(mention_scores, (n, 1))  # [N, N], row i = scores
    scores_ij = scores_tiled + scores_tiled.T
    scores_ij = scores_ij + pair_mask
    k = min(K, n)
    top_scores, indices = jax.lax.top_k(scores_ij, k)
    return top_scores, indices

if __name__ == "__main__":
    import jax
    _d = setup_inputs()
    print(jax.jit(kernel)(*tuple(_d.values())))

</pallas_src>

<mosaic_0001>
#map = affine_map<(d0, d1) -> (0)>
module attributes {stable_mosaic.version = 14 : i64} {
  func.func @_sel_body(%arg0: i32, %arg1: i32, %arg2: memref<4096xf32, #tpu.memory_space<hbm>>, %arg3: memref<262144xf32, #tpu.memory_space<hbm>>, %arg4: memref<262144xi32, #tpu.memory_space<hbm>>, %arg5: memref<4112xf32, #tpu.memory_space<vmem>>, %arg6: memref<80xf32, #tpu.memory_space<vmem>>, %arg7: memref<80xi32, #tpu.memory_space<vmem>>, %arg8: memref<32xf32, #tpu.memory_space<vmem>>, %arg9: memref<32xi32, #tpu.memory_space<vmem>>, %arg10: memref<8192xf32, #tpu.memory_space<vmem>>, %arg11: memref<8192xi32, #tpu.memory_space<vmem>>) attributes {dimension_semantics = [#tpu.dimension_semantics<core_parallel>, #tpu.dimension_semantics<subcore_parallel>], iteration_bounds = array<i64: 2, 16>, scalar_prefetch = 0 : i64, scratch_operands = 7 : i64, tpu.core_type = #tpu.core_type<sc_vector_subcore>, window_params = [{transform_indices = #map}, {transform_indices = #map}, {transform_indices = #map}]} {
    %mul3A = arith.constant 16 : i32
    %mul3A_0 = arith.muli %arg0, %mul3A : i32
    %add3A = arith.addi %mul3A_0, %arg1 : i32
    %mul3A_1 = arith.constant 128 : i32
    %mul3A_2 = arith.muli %add3A, %mul3A_1 : i32
    "tpu.region"() ({
      %run_scoped3A = tpu.sem_alloc : memref<!tpu.dma_semaphore, #tpu.memory_space<semaphore_mem>>
      %dma_start3A = arith.constant 0 : i32
      %dma_start3A_81 = tpu.memref_slice %arg5[%dma_start3A] : memref<4112xf32, #tpu.memory_space<vmem>> -> memref<4096xf32, #tpu.memory_space<vmem>>
      %dma_start3A_82 = arith.constant 0 : i32
      %dma_start3A_83 = tpu.memref_slice %arg5[%dma_start3A_82] : memref<4112xf32, #tpu.memory_space<vmem>> -> memref<4096xf32, #tpu.memory_space<vmem>>
      tpu.enqueue_dma source(%arg2 : memref<4096xf32, #tpu.memory_space<hbm>>) target(%dma_start3A_83 : memref<4096xf32, #tpu.memory_space<vmem>>) target_semaphore(%run_scoped3A : memref<!tpu.dma_semaphore, #tpu.memory_space<semaphore_mem>>)
      %dma_wait3A = arith.constant 0 : i32
      %dma_wait3A_84 = tpu.memref_slice %arg5[%dma_wait3A] : memref<4112xf32, #tpu.memory_space<vmem>> -> memref<4096xf32, #tpu.memory_space<vmem>>
      %dma_wait3A_85 = arith.constant 0 : i32
      %dma_wait3A_86 = tpu.memref_slice %arg5[%dma_wait3A_85] : memref<4112xf32, #tpu.memory_space<vmem>> -> memref<4096xf32, #tpu.memory_space<vmem>>
      tpu.wait_dma2 semaphore(%run_scoped3A : memref<!tpu.dma_semaphore, #tpu.memory_space<semaphore_mem>>) src(%arg2 : memref<4096xf32, #tpu.memory_space<hbm>>) dst(%dma_wait3A_86 : memref<4096xf32, #tpu.memory_space<vmem>>)
      tpu.yield
    }) : () -> ()
    %iota3A = tpu.iota {dimensions = array<i32: 0>} : vector<16xi32>
    %eq3A = arith.constant 0 : i32
    %eq3A_3 = vector.broadcast %eq3A : i32 to vector<16xi32>
    %eq3A_4 = arith.cmpi eq, %iota3A, %eq3A_3 : vector<16xi32>
    %jit3A = arith.constant 0x7F800000 : f32
    %jit3A_5 = arith.constant 0xFF800000 : f32
    %broadcast_in_dim3A = vector.broadcast %jit3A : f32 to vector<16xf32>
    %broadcast_in_dim3A_6 = vector.broadcast %jit3A_5 : f32 to vector<16xf32>
    %select_n3A = arith.select %eq3A_4, %broadcast_in_dim3A, %broadcast_in_dim3A_6 : vector<16xi1>, vector<16xf32>
    %swap3A = arith.constant 0 : index
    %swap3A_7 = tpu.vector_load %arg6[%swap3A] {strides = array<i32>} : memref<80xf32, #tpu.memory_space<vmem>>, vector<16xf32>,
    tpu.vector_store %arg6[%swap3A], %select_n3A {strides = array<i32>} : memref<80xf32, #tpu.memory_space<vmem>>, vector<16xf32>,
    %broadcast_in_dim3A_8 = arith.constant 0 : i32
    %broadcast_in_dim3A_9 = vector.broadcast %broadcast_in_dim3A_8 : i32 to vector<16xi32>
    %swap3A_10 = arith.constant 0 : index
    %swap3A_11 = tpu.vector_load %arg7[%swap3A_10] {strides = array<i32>} : memref<80xi32, #tpu.memory_space<vmem>>, vector<16xi32>,
    tpu.vector_store %arg7[%swap3A_10], %broadcast_in_dim3A_9 {strides = array<i32>} : memref<80xi32, #tpu.memory_space<vmem>>, vector<16xi32>,
    %broadcast_in_dim3A_12 = arith.constant 0xFF800000 : f32
    %broadcast_in_dim3A_13 = vector.broadcast %broadcast_in_dim3A_12 : f32 to vector<16xf32>
    %swap3A_14 = arith.constant 16 : index
    %swap3A_15 = tpu.vector_load %arg6[%swap3A_14] {strides = array<i32>} : memref<80xf32, #tpu.memory_space<vmem>>, vector<16xf32>,
    tpu.vector_store %arg6[%swap3A_14], %broadcast_in_dim3A_13 {strides = array<i32>} : memref<80xf32, #tpu.memory_space<vmem>>, vector<16xf32>,
    %broadcast_in_dim3A_16 = arith.constant 0 : i32
    %broadcast_in_dim3A_17 = vector.broadcast %broadcast_in_dim3A_16 : i32 to vector<16xi32>
    %swap3A_18 = arith.constant 16 : index
    %swap3A_19 = tpu.vector_load %arg7[%swap3A_18] {strides = array<i32>} : memref<80xi32, #tpu.memory_space<vmem>>, vector<16xi32>,
    tpu.vector_store %arg7[%swap3A_18], %broadcast_in_dim3A_17 {strides = array<i32>} : memref<80xi32, #tpu.memory_space<vmem>>, vector<16xi32>,
    %broadcast_in_dim3A_20 = arith.constant 0xFF800000 : f32
    %broadcast_in_dim3A_21 = vector.broadcast %broadcast_in_dim3A_20 : f32 to vector<16xf32>
    %swap3A_22 = arith.constant 32 : index
    %swap3A_23 = tpu.vector_load %arg6[%swap3A_22] {strides = array<i32>} : memref<80xf32, #tpu.memory_space<vmem>>, vector<16xf32>,
    tpu.vector_store %arg6[%swap3A_22], %broadcast_in_dim3A_21 {strides = array<i32>} : memref<80xf32, #tpu.memory_space<vmem>>, vector<16xf32>,
    %broadcast_in_dim3A_24 = arith.constant 0 : i32
    %broadcast_in_dim3A_25 = vector.broadcast %broadcast_in_dim3A_24 : i32 to vector<16xi32>
    %swap3A_26 = arith.constant 32 : index
    %swap3A_27 = tpu.vector_load %arg7[%swap3A_26] {strides = array<i32>} : memref<80xi32, #tpu.memory_space<vmem>>, vector<16xi32>,
    tpu.vector_store %arg7[%swap3A_26], %broadcast_in_dim3A_25 {strides = array<i32>} : memref<80xi32, #tpu.memory_space<vmem>>, vector<16xi32>,
    %broadcast_in_dim3A_28 = arith.constant 0xFF800000 : f32
    %broadcast_in_dim3A_29 = vector.broadcast %broadcast_in_dim3A_28 : f32 to vector<16xf32>
    %swap3A_30 = arith.constant 48 : index
    %swap3A_31 = tpu.vector_load %arg6[%swap3A_30] {strides = array<i32>} : memref<80xf32, #tpu.memory_space<vmem>>, vector<16xf32>,
    tpu.vector_store %arg6[%swap3A_30], %broadcast_in_dim3A_29 {strides = array<i32>} : memref<80xf32, #tpu.memory_space<vmem>>, vector<16xf32>,
    %broadcast_in_dim3A_32 = arith.constant 0 : i32
    %broadcast_in_dim3A_33 = vector.broadcast %broadcast_in_dim3A_32 : i32 to vector<16xi32>
    %swap3A_34 = arith.constant 48 : index
    %swap3A_35 = tpu.vector_load %arg7[%swap3A_34] {strides = array<i32>} : memref<80xi32, #tpu.memory_space<vmem>>, vector<16xi32>,
    tpu.vector_store %arg7[%swap3A_34], %broadcast_in_dim3A_33 {strides = array<i32>} : memref<80xi32, #tpu.memory_space<vmem>>, vector<16xi32>,
    %broadcast_in_dim3A_36 = arith.constant 0xFF800000 : f32
    %broadcast_in_dim3A_37 = vector.broadcast %broadcast_in_dim3A_36 : f32 to vector<16xf32>
    %swap3A_38 = arith.constant 64 : index
    %swap3A_39 = tpu.vector_load %arg6[%swap3A_38] {strides = array<i32>} : memref<80xf32, #tpu.memory_space<vmem>>, vector<16xf32>,
    tpu.vector_store %arg6[%swap3A_38], %broadcast_in_dim3A_37 {strides = array<i32>} : memref<80xf32, #tpu.memory_space<vmem>>, vector<16xf32>,
    %broadcast_in_dim3A_40 = arith.constant 0 : i32
    %broadcast_in_dim3A_41 = vector.broadcast %broadcast_in_dim3A_40 : i32 to vector<16xi32>
    %swap3A_42 = arith.constant 64 : index
    %swap3A_43 = tpu.vector_load %arg7[%swap3A_42] {strides = array<i32>} : memref<80xi32, #tpu.memory_space<vmem>>, vector<16xi32>,
    tpu.vector_store %arg7[%swap3A_42], %broadcast_in_dim3A_41 {strides = array<i32>} : memref<80xi32, #tpu.memory_space<vmem>>, vector<16xi32>,
    %jit3A_44 = arith.constant 16 : i32
    %div3A = arith.divsi %mul3A_2, %jit3A_44 : i32
    %sign3A = arith.constant 0 : i32
    %sign3A_45 = arith.cmpi sgt, %mul3A_2, %sign3A : i32
    %sign3A_46 = arith.extui %sign3A_45 : i1 to i32
    %sign3A_47 = arith.constant 0 : i32
    %sign3A_48 = arith.cmpi slt, %mul3A_2, %sign3A_47 : i32
    %sign3A_49 = arith.extui %sign3A_48 : i1 to i32
    %sign3A_50 = arith.subi %sign3A_46, %sign3A_49 : i32
    %sign3A_51 = arith.constant 0 : i32
    %sign3A_52 = arith.cmpi sgt, %jit3A_44, %sign3A_51 : i32
    %sign3A_53 = arith.extui %sign3A_52 : i1 to i32
    %sign3A_54 = arith.constant 0 : i32
    %sign3A_55 = arith.cmpi slt, %jit3A_44, %sign3A_54 : i32
    %sign3A_56 = arith.extui %sign3A_55 : i1 to i32
    %sign3A_57 = arith.subi %sign3A_53, %sign3A_56 : i32
    %ne3A = arith.cmpi ne, %sign3A_50, %sign3A_57 : i32
    %rem3A = arith.remsi %mul3A_2, %jit3A_44 : i32
    %ne3A_58 = arith.constant 0 : i32
    %ne3A_59 = arith.cmpi ne, %rem3A, %ne3A_58 : i32
    %and3A = arith.andi %ne3A, %ne3A_59 : i1
    %sub3A = arith.constant 1 : i32
    %sub3A_60 = arith.subi %div3A, %sub3A : i32
    %select_n3A_61 = arith.select %and3A, %sub3A_60, %div3A : i32
    %while3A = arith.constant 0 : i32
    %while3A_62 = arith.constant 0 : i32
    %while3A_63 = arith.subi %select_n3A_61, %while3A_62 : i32
    %while3A_64 = arith.addi %while3A_62, %while3A_63 : i32
    %while3A_65 = arith.constant 1 : i32
    %while3A_66 = arith.divsi %while3A_63, %while3A_65 : i32
    %while3A_67 = arith.muli %while3A_66, %while3A_65 : i32
    %while3A_68 = arith.addi %while3A_62, %while3A_67 : i32
    %while3A_69 = arith.constant 1 : i32
    scf.for %while3A_81 = %while3A_62 to %while3A_68 step %while3A_69  : i32 {
      %mul3A_82 = arith.constant 16 : i32
      %mul3A_83 = arith.muli %while3A_81, %mul3A_82 : i32
      %get3A = arith.index_cast %mul3A_83 : i32 to index
      %get3A_84 = tpu.vector_load %arg5[%get3A] {strides = array<i32>} : memref<4112xf32, #tpu.memory_space<vmem>>, vector<16xf32>,
      %mul3A_85 = arith.constant 16 : i32
      %mul3A_86 = arith.muli %while3A_81, %mul3A_85 : i32
      %add3A_87 = vector.broadcast %mul3A_86 : i32 to vector<16xi32>
      %add3A_88 = arith.addi %iota3A, %add3A_87 : vector<16xi32>
      %masked_sort3A = arith.constant dense<true> : vector<16xi1>
      %masked_sort3A_89, %masked_sort3A_90, %masked_sort3A_91 = tpu.sort %get3A_84, %add3A_88 masked %masked_sort3A {descending = true} : (vector<16xf32>, vector<16xi32>, vector<16xi1>) -> (vector<16xi1>, vector<16xf32>, vector<16xi32>)
      %swap3A_92 = arith.constant 0 : index
      %swap3A_93 = tpu.vector_load %arg8[%swap3A_92] {strides = array<i32>} : memref<32xf32, #tpu.memory_space<vmem>>, vector<16xf32>,
      tpu.vector_store %arg8[%swap3A_92], %masked_sort3A_90 {strides = array<i32>} : memref<32xf32, #tpu.memory_space<vmem>>, vector<16xf32>,
      %swap3A_94 = arith.constant 0 : index
      %swap3A_95 = tpu.vector_load %arg9[%swap3A_94] {strides = array<i32>} : memref<32xi32, #tpu.memory_space<vmem>>, vector<16xi32>,
      tpu.vector_store %arg9[%swap3A_94], %masked_sort3A_91 {strides = array<i32>} : memref<32xi32, #tpu.memory_space<vmem>>, vector<16xi32>,
      %while3A_96 = arith.constant 0 : i32
      %while3A_97 = scf.while (%while3A_98 = %while3A_96) : (i32) -> i32 {
        %lt3A = arith.constant 16 : i32
        %lt3A_99 = arith.cmpi slt, %while3A_98, %lt3A : i32
        %get3A_100 = arith.index_cast %while3A_98 : i32 to index
        %get3A_101 = tpu.vector_load %arg8[%get3A_100] {strides = array<i32>} : memref<32xf32, #tpu.memory_space<vmem>>, vector<16xf32>,
        %slice3A = vector.extract_strided_slice %get3A_101 {offsets = [0], sizes = [1], strides = [1]} : vector<16xf32> to vector<1xf32>
        %squeeze3A = vector.extract %slice3A[0] : f32 from vector<1xf32>
        %get3A_102 = arith.constant 64 : index
        %get3A_103 = tpu.vector_load %arg6[%get3A_102] {strides = array<i32>} : memref<80xf32, #tpu.memory_space<vmem>>, vector<16xf32>,
        %slice3A_104 = vector.extract_strided_slice %get3A_103 {offsets = [0], sizes = [1], strides = [1]} : vector<16xf32> to vector<1xf32>
        %squeeze3A_105 = vector.extract %slice3A_104[0] : f32 from vector<1xf32>
        %ge3A = arith.cmpf oge, %squeeze3A, %squeeze3A_105 : f32
        %and3A_106 = arith.andi %lt3A_99, %ge3A : i1
        scf.condition(%and3A_106) %while3A_98 : i32
      } do {
      ^bb0(%while3A_98: i32):
        %get3A_99 = arith.index_cast %while3A_98 : i32 to index
        %get3A_100 = tpu.vector_load %arg8[%get3A_99] {strides = array<i32>} : memref<32xf32, #tpu.memory_space<vmem>>, vector<16xf32>,
        %slice3A = vector.extract_strided_slice %get3A_100 {offsets = [0], sizes = [1], strides = [1]} : vector<16xf32> to vector<1xf32>
        %squeeze3A = vector.extract %slice3A[0] : f32 from vector<1xf32>
        %get3A_101 = arith.index_cast %while3A_98 : i32 to index
        %get3A_102 = tpu.vector_load %arg9[%get3A_101] {strides = array<i32>} : memref<32xi32, #tpu.memory_space<vmem>>, vector<16xi32>,
        %slice3A_103 = vector.extract_strided_slice %get3A_102 {offsets = [0], sizes = [1], strides = [1]} : vector<16xi32> to vector<1xi32>
        %squeeze3A_104 = vector.extract %slice3A_103[0] : i32 from vector<1xi32>
        %get3A_105 = arith.constant 1 : index
        %get3A_106 = tpu.vector_load %arg6[%get3A_105] {strides = array<i32>} : memref<80xf32, #tpu.memory_space<vmem>>, vector<16xf32>,
        %get3A_107 = arith.constant 17 : index
        %get3A_108 = tpu.vector_load %arg6[%get3A_107] {strides = array<i32>} : memref<80xf32, #tpu.memory_space<vmem>>, vector<16xf32>,
        %get3A_109 = arith.constant 33 : index
        %get3A_110 = tpu.vector_load %arg6[%get3A_109] {strides = array<i32>} : memref<80xf32, #tpu.memory_space<vmem>>, vector<16xf32>,
        %get3A_111 = arith.constant 49 : index
        %get3A_112 = tpu.vector_load %arg6[%get3A_111] {strides = array<i32>} : memref<80xf32, #tpu.memory_space<vmem>>, vector<16xf32>,
        %get3A_113 = arith.constant 0 : index
        %get3A_114 = tpu.vector_load %arg6[%get3A_113] {strides = array<i32>} : memref<80xf32, #tpu.memory_space<vmem>>, vector<16xf32>,
        %get3A_115 = arith.constant 16 : index
        %get3A_116 = tpu.vector_load %arg6[%get3A_115] {strides = array<i32>} : memref<80xf32, #tpu.memory_space<vmem>>, vector<16xf32>,
        %get3A_117 = arith.constant 32 : index
        %get3A_118 = tpu.vector_load %arg6[%get3A_117] {strides = array<i32>} : memref<80xf32, #tpu.memory_space<vmem>>, vector<16xf32>,
        %get3A_119 = arith.constant 48 : index
        %get3A_120 = tpu.vector_load %arg6[%get3A_119] {strides = array<i32>} : memref<80xf32, #tpu.memory_space<vmem>>, vector<16xf32>,
        %get3A_121 = arith.constant 1 : index
        %get3A_122 = tpu.vector_load %arg7[%get3A_121] {strides = array<i32>} : memref<80xi32, #tpu.memory_space<vmem>>, vector<16xi32>,
        %get3A_123 = arith.constant 17 : index
        %get3A_124 = tpu.vector_load %arg7[%get3A_123] {strides = array<i32>} : memref<80xi32, #tpu.memory_space<vmem>>, vector<16xi32>,
        %get3A_125 = arith.constant 33 : index
        %get3A_126 = tpu.vector_load %arg7[%get3A_125] {strides = array<i32>} : memref<80xi32, #tpu.memory_space<vmem>>, vector<16xi32>,
        %get3A_127 = arith.constant 49 : index
        %get3A_128 = tpu.vector_load %arg7[%get3A_127] {strides = array<i32>} : memref<80xi32, #tpu.memory_space<vmem>>, vector<16xi32>,
        %get3A_129 = arith.constant 0 : index
        %get3A_130 = tpu.vector_load %arg7[%get3A_129] {strides = array<i32>} : memref<80xi32, #tpu.memory_space<vmem>>, vector<16xi32>,
        %get3A_131 = arith.constant 16 : index
        %get3A_132 = tpu.vector_load %arg7[%get3A_131] {strides = array<i32>} : memref<80xi32, #tpu.memory_space<vmem>>, vector<16xi32>,
        %get3A_133 = arith.constant 32 : index
        %get3A_134 = tpu.vector_load %arg7[%get3A_133] {strides = array<i32>} : memref<80xi32, #tpu.memory_space<vmem>>, vector<16xi32>,
        %get3A_135 = arith.constant 48 : index
        %get3A_136 = tpu.vector_load %arg7[%get3A_135] {strides = array<i32>} : memref<80xi32, #tpu.memory_space<vmem>>, vector<16xi32>,
        %gt3A = vector.broadcast %squeeze3A : f32 to vector<16xf32>
        %gt3A_137 = arith.cmpf ogt, %get3A_106, %gt3A : vector<16xf32>
        %eq3A_138 = vector.broadcast %squeeze3A : f32 to vector<16xf32>
        %eq3A_139 = arith.cmpf oeq, %get3A_106, %eq3A_138 : vector<16xf32>
        %lt3A = vector.broadcast %squeeze3A_104 : i32 to vector<16xi32>
        %lt3A_140 = arith.cmpi slt, %get3A_122, %lt3A : vector<16xi32>
        %and3A_141 = arith.andi %eq3A_139, %lt3A_140 : vector<16xi1>
        %or3A = arith.ori %gt3A_137, %and3A_141 : vector<16xi1>
        %gt3A_142 = vector.broadcast %squeeze3A : f32 to vector<16xf32>
        %gt3A_143 = arith.cmpf ogt, %get3A_114, %gt3A_142 : vector<16xf32>
        %eq3A_144 = vector.broadcast %squeeze3A : f32 to vector<16xf32>
        %eq3A_145 = arith.cmpf oeq, %get3A_114, %eq3A_144 : vector<16xf32>
        %lt3A_146 = vector.broadcast %squeeze3A_104 : i32 to vector<16xi32>
        %lt3A_147 = arith.cmpi slt, %get3A_130, %lt3A_146 : vector<16xi32>
        %and3A_148 = arith.andi %eq3A_145, %lt3A_147 : vector<16xi1>
        %or3A_149 = arith.ori %gt3A_143, %and3A_148 : vector<16xi1>
        %min3A = vector.broadcast %squeeze3A : f32 to vector<16xf32>
        %min3A_150 = arith.minimumf %get3A_114, %min3A : vector<16xf32>
        %select_n3A_151 = arith.select %or3A, %get3A_106, %min3A_150 : vector<16xi1>, vector<16xf32>
        %broadcast_in_dim3A_152 = vector.broadcast %squeeze3A_104 : i32 to vector<16xi32>
        %select_n3A_153 = arith.select %or3A_149, %broadcast_in_dim3A_152, %get3A_130 : vector<16xi1>, vector<16xi32>
        %select_n3A_154 = arith.select %or3A, %get3A_122, %select_n3A_153 : vector<16xi1>, vector<16xi32>
        %swap3A_155 = arith.constant 1 : index
        %swap3A_156 = tpu.vector_load %arg6[%swap3A_155] {strides = array<i32>} : memref<80xf32, #tpu.memory_space<vmem>>, vector<16xf32>,
        tpu.vector_store %arg6[%swap3A_155], %select_n3A_151 {strides = array<i32>} : memref<80xf32, #tpu.memory_space<vmem>>, vector<16xf32>,
        %swap3A_157 = arith.constant 1 : index
        %swap3A_158 = tpu.vector_load %arg7[%swap3A_157] {strides = array<i32>} : memref<80xi32, #tpu.memory_space<vmem>>, vector<16xi32>,
        tpu.vector_store %arg7[%swap3A_157], %select_n3A_154 {strides = array<i32>} : memref<80xi32, #tpu.memory_space<vmem>>, vector<16xi32>,
        %gt3A_159 = vector.broadcast %squeeze3A : f32 to vector<16xf32>
        %gt3A_160 = arith.cmpf ogt, %get3A_108, %gt3A_159 : vector<16xf32>
        %eq3A_161 = vector.broadcast %squeeze3A : f32 to vector<16xf32>
        %eq3A_162 = arith.cmpf oeq, %get3A_108, %eq3A_161 : vector<16xf32>
        %lt3A_163 = vector.broadcast %squeeze3A_104 : i32 to vector<16xi32>
        %lt3A_164 = arith.cmpi slt, %get3A_124, %lt3A_163 : vector<16xi32>
        %and3A_165 = arith.andi %eq3A_162, %lt3A_164 : vector<16xi1>
        %or3A_166 = arith.ori %gt3A_160, %and3A_165 : vector<16xi1>
        %gt3A_167 = vector.broadcast %squeeze3A : f32 to vector<16xf32>
        %gt3A_168 = arith.cmpf ogt, %get3A_116, %gt3A_167 : vector<16xf32>
        %eq3A_169 = vector.broadcast %squeeze3A : f32 to vector<16xf32>
        %eq3A_170 = arith.cmpf oeq, %get3A_116, %eq3A_169 : vector<16xf32>
        %lt3A_171 = vector.broadcast %squeeze3A_104 : i32 to vector<16xi32>
        %lt3A_172 = arith.cmpi slt, %get3A_132, %lt3A_171 : vector<16xi32>
        %and3A_173 = arith.andi %eq3A_170, %lt3A_172 : vector<16xi1>
        %or3A_174 = arith.ori %gt3A_168, %and3A_173 : vector<16xi1>
        %min3A_175 = vector.broadcast %squeeze3A : f32 to vector<16xf32>
        %min3A_176 = arith.minimumf %get3A_116, %min3A_175 : vector<16xf32>
        %select_n3A_177 = arith.select %or3A_166, %get3A_108, %min3A_176 : vector<16xi1>, vector<16xf32>
        %broadcast_in_dim3A_178 = vector.broadcast %squeeze3A_104 : i32 to vector<16xi32>
        %select_n3A_179 = arith.select %or3A_174, %broadcast_in_dim3A_178, %get3A_132 : vector<16xi1>, vector<16xi32>
        %select_n3A_180 = arith.select %or3A_166, %get3A_124, %select_n3A_179 : vector<16xi1>, vector<16xi32>
        %swap3A_181 = arith.constant 17 : index
        %swap3A_182 = tpu.vector_load %arg6[%swap3A_181] {strides = array<i32>} : memref<80xf32, #tpu.memory_space<vmem>>, vector<16xf32>,
        tpu.vector_store %arg6[%swap3A_181], %select_n3A_177 {strides = array<i32>} : memref<80xf32, #tpu.memory_space<vmem>>, vector<16xf32>,
        %swap3A_183 = arith.constant 17 : index
        %swap3A_184 = tpu.vector_load %arg7[%swap3A_183] {strides = array<i32>} : memref<80xi32, #tpu.memory_space<vmem>>, vector<16xi32>,
        tpu.vector_store %arg7[%swap3A_183], %select_n3A_180 {strides = array<i32>} : memref<80xi32, #tpu.memory_space<vmem>>, vector<16xi32>,
        %gt3A_185 = vector.broadcast %squeeze3A : f32 to vector<16xf32>
        %gt3A_186 = arith.cmpf ogt, %get3A_110, %gt3A_185 : vector<16xf32>
        %eq3A_187 = vector.broadcast %squeeze3A : f32 to vector<16xf32>
        %eq3A_188 = arith.cmpf oeq, %get3A_110, %eq3A_187 : vector<16xf32>
        %lt3A_189 = vector.broadcast %squeeze3A_104 : i32 to vector<16xi32>
        %lt3A_190 = arith.cmpi slt, %get3A_126, %lt3A_189 : vector<16xi32>
        %and3A_191 = arith.andi %eq3A_188, %lt3A_190 : vector<16xi1>
        %or3A_192 = arith.ori %gt3A_186, %and3A_191 : vector<16xi1>
        %gt3A_193 = vector.broadcast %squeeze3A : f32 to vector<16xf32>
        %gt3A_194 = arith.cmpf ogt, %get3A_118, %gt3A_193 : vector<16xf32>
        %eq3A_195 = vector.broadcast %squeeze3A : f32 to vector<16xf32>
        %eq3A_196 = arith.cmpf oeq, %get3A_118, %eq3A_195 : vector<16xf32>
        %lt3A_197 = vector.broadcast %squeeze3A_104 : i32 to vector<16xi32>
        %lt3A_198 = arith.cmpi slt, %get3A_134, %lt3A_197 : vector<16xi32>
        %and3A_199 = arith.andi %eq3A_196, %lt3A_198 : vector<16xi1>
        %or3A_200 = arith.ori %gt3A_194, %and3A_199 : vector<16xi1>
        %min3A_201 = vector.broadcast %squeeze3A : f32 to vector<16xf32>
        %min3A_202 = arith.minimumf %get3A_118, %min3A_201 : vector<16xf32>
        %select_n3A_203 = arith.select %or3A_192, %get3A_110, %min3A_202 : vector<16xi1>, vector<16xf32>
        %broadcast_in_dim3A_204 = vector.broadcast %squeeze3A_104 : i32 to vector<16xi32>
        %select_n3A_205 = arith.select %or3A_200, %broadcast_in_dim3A_204, %get3A_134 : vector<16xi1>, vector<16xi32>
        %select_n3A_206 = arith.select %or3A_192, %get3A_126, %select_n3A_205 : vector<16xi1>, vector<16xi32>
        %swap3A_207 = arith.constant 33 : index
        %swap3A_208 = tpu.vector_load %arg6[%swap3A_207] {strides = array<i32>} : memref<80xf32, #tpu.memory_space<vmem>>, vector<16xf32>,
        tpu.vector_store %arg6[%swap3A_207], %select_n3A_203 {strides = array<i32>} : memref<80xf32, #tpu.memory_space<vmem>>, vector<16xf32>,
        %swap3A_209 = arith.constant 33 : index
        %swap3A_210 = tpu.vector_load %arg7[%swap3A_209] {strides = array<i32>} : memref<80xi32, #tpu.memory_space<vmem>>, vector<16xi32>,
        tpu.vector_store %arg7[%swap3A_209], %select_n3A_206 {strides = array<i32>} : memref<80xi32, #tpu.memory_space<vmem>>, vector<16xi32>,
        %gt3A_211 = vector.broadcast %squeeze3A : f32 to vector<16xf32>
        %gt3A_212 = arith.cmpf ogt, %get3A_112, %gt3A_211 : vector<16xf32>
        %eq3A_213 = vector.broadcast %squeeze3A : f32 to vector<16xf32>
        %eq3A_214 = arith.cmpf oeq, %get3A_112, %eq3A_213 : vector<16xf32>
        %lt3A_215 = vector.broadcast %squeeze3A_104 : i32 to vector<16xi32>
        %lt3A_216 = arith.cmpi slt, %get3A_128, %lt3A_215 : vector<16xi32>
        %and3A_217 = arith.andi %eq3A_214, %lt3A_216 : vector<16xi1>
        %or3A_218 = arith.ori %gt3A_212, %and3A_217 : vector<16xi1>
        %gt3A_219 = vector.broadcast %squeeze3A : f32 to vector<16xf32>
        %gt3A_220 = arith.cmpf ogt, %get3A_120, %gt3A_219 : vector<16xf32>
        %eq3A_221 = vector.broadcast %squeeze3A : f32 to vector<16xf32>
        %eq3A_222 = arith.cmpf oeq, %get3A_120, %eq3A_221 : vector<16xf32>
        %lt3A_223 = vector.broadcast %squeeze3A_104 : i32 to vector<16xi32>
        %lt3A_224 = arith.cmpi slt, %get3A_136, %lt3A_223 : vector<16xi32>
        %and3A_225 = arith.andi %eq3A_222, %lt3A_224 : vector<16xi1>
        %or3A_226 = arith.ori %gt3A_220, %and3A_225 : vector<16xi1>
        %min3A_227 = vector.broadcast %squeeze3A : f32 to vector<16xf32>
        %min3A_228 = arith.minimumf %get3A_120, %min3A_227 : vector<16xf32>
        %select_n3A_229 = arith.select %or3A_218, %get3A_112, %min3A_228 : vector<16xi1>, vector<16xf32>
        %broadcast_in_dim3A_230 = vector.broadcast %squeeze3A_104 : i32 to vector<16xi32>
        %select_n3A_231 = arith.select %or3A_226, %broadcast_in_dim3A_230, %get3A_136 : vector<16xi1>, vector<16xi32>
        %select_n3A_232 = arith.select %or3A_218, %get3A_128, %select_n3A_231 : vector<16xi1>, vector<16xi32>
        %swap3A_233 = arith.constant 49 : index
        %swap3A_234 = tpu.vector_load %arg6[%swap3A_233] {strides = array<i32>} : memref<80xf32, #tpu.memory_space<vmem>>, vector<16xf32>,
        tpu.vector_store %arg6[%swap3A_233], %select_n3A_229 {strides = array<i32>} : memref<80xf32, #tpu.memory_space<vmem>>, vector<16xf32>,
        %swap3A_235 = arith.constant 49 : index
        %swap3A_236 = tpu.vector_load %arg7[%swap3A_235] {strides = array<i32>} : memref<80xi32, #tpu.memory_space<vmem>>, vector<16xi32>,
        tpu.vector_store %arg7[%swap3A_235], %select_n3A_232 {strides = array<i32>} : memref<80xi32, #tpu.memory_space<vmem>>, vector<16xi32>,
        %add3A_237 = arith.constant 1 : i32
        %add3A_238 = arith.addi %while3A_98, %add3A_237 : i32
        scf.yield %add3A_238 : i32
      }
    }
    %while3A_70 = arith.constant 1 : i32
    scf.for %while3A_81 = %while3A_68 to %while3A_64 step %while3A_70  : i32 {
      %mul3A_82 = arith.constant 16 : i32
      %mul3A_83 = arith.muli %while3A_81, %mul3A_82 : i32
      %get3A = arith.index_cast %mul3A_83 : i32 to index
      %get3A_84 = tpu.vector_load %arg5[%get3A] {strides = array<i32>} : memref<4112xf32, #tpu.memory_space<vmem>>, vector<16xf32>,
      %mul3A_85 = arith.constant 16 : i32
      %mul3A_86 = arith.muli %while3A_81, %mul3A_85 : i32
      %add3A_87 = vector.broadcast %mul3A_86 : i32 to vector<16xi32>
      %add3A_88 = arith.addi %iota3A, %add3A_87 : vector<16xi32>
      %masked_sort3A = arith.constant dense<true> : vector<16xi1>
      %masked_sort3A_89, %masked_sort3A_90, %masked_sort3A_91 = tpu.sort %get3A_84, %add3A_88 masked %masked_sort3A {descending = true} : (vector<16xf32>, vector<16xi32>, vector<16xi1>) -> (vector<16xi1>, vector<16xf32>, vector<16xi32>)
      %swap3A_92 = arith.constant 0 : index
      %swap3A_93 = tpu.vector_load %arg8[%swap3A_92] {strides = array<i32>} : memref<32xf32, #tpu.memory_space<vmem>>, vector<16xf32>,
      tpu.vector_store %arg8[%swap3A_92], %masked_sort3A_90 {strides = array<i32>} : memref<32xf32, #tpu.memory_space<vmem>>, vector<16xf32>,
      %swap3A_94 = arith.constant 0 : index
      %swap3A_95 = tpu.vector_load %arg9[%swap3A_94] {strides = array<i32>} : memref<32xi32, #tpu.memory_space<vmem>>, vector<16xi32>,
      tpu.vector_store %arg9[%swap3A_94], %masked_sort3A_91 {strides = array<i32>} : memref<32xi32, #tpu.memory_space<vmem>>, vector<16xi32>,
      %while3A_96 = arith.constant 0 : i32
      %while3A_97 = scf.while (%while3A_98 = %while3A_96) : (i32) -> i32 {
        %lt3A = arith.constant 16 : i32
        %lt3A_99 = arith.cmpi slt, %while3A_98, %lt3A : i32
        %get3A_100 = arith.index_cast %while3A_98 : i32 to index
        %get3A_101 = tpu.vector_load %arg8[%get3A_100] {strides = array<i32>} : memref<32xf32, #tpu.memory_space<vmem>>, vector<16xf32>,
        %slice3A = vector.extract_strided_slice %get3A_101 {offsets = [0], sizes = [1], strides = [1]} : vector<16xf32> to vector<1xf32>
        %squeeze3A = vector.extract %slice3A[0] : f32 from vector<1xf32>
        %get3A_102 = arith.constant 64 : index
        %get3A_103 = tpu.vector_load %arg6[%get3A_102] {strides = array<i32>} : memref<80xf32, #tpu.memory_space<vmem>>, vector<16xf32>,
        %slice3A_104 = vector.extract_strided_slice %get3A_103 {offsets = [0], sizes = [1], strides = [1]} : vector<16xf32> to vector<1xf32>
        %squeeze3A_105 = vector.extract %slice3A_104[0] : f32 from vector<1xf32>
        %ge3A = arith.cmpf oge, %squeeze3A, %squeeze3A_105 : f32
        %and3A_106 = arith.andi %lt3A_99, %ge3A : i1
        scf.condition(%and3A_106) %while3A_98 : i32
      } do {
      ^bb0(%while3A_98: i32):
        %get3A_99 = arith.index_cast %while3A_98 : i32 to index
        %get3A_100 = tpu.vector_load %arg8[%get3A_99] {strides = array<i32>} : memref<32xf32, #tpu.memory_space<vmem>>, vector<16xf32>,
        %slice3A = vector.extract_strided_slice %get3A_100 {offsets = [0], sizes = [1], strides = [1]} : vector<16xf32> to vector<1xf32>
        %squeeze3A = vector.extract %slice3A[0] : f32 from vector<1xf32>
        %get3A_101 = arith.index_cast %while3A_98 : i32 to index
        %get3A_102 = tpu.vector_load %arg9[%get3A_101] {strides = array<i32>} : memref<32xi32, #tpu.memory_space<vmem>>, vector<16xi32>,
        %slice3A_103 = vector.extract_strided_slice %get3A_102 {offsets = [0], sizes = [1], strides = [1]} : vector<16xi32> to vector<1xi32>
        %squeeze3A_104 = vector.extract %slice3A_103[0] : i32 from vector<1xi32>
        %get3A_105 = arith.constant 1 : index
        %get3A_106 = tpu.vector_load %arg6[%get3A_105] {strides = array<i32>} : memref<80xf32, #tpu.memory_space<vmem>>, vector<16xf32>,
        %get3A_107 = arith.constant 17 : index
        %get3A_108 = tpu.vector_load %arg6[%get3A_107] {strides = array<i32>} : memref<80xf32, #tpu.memory_space<vmem>>, vector<16xf32>,
        %get3A_109 = arith.constant 33 : index
        %get3A_110 = tpu.vector_load %arg6[%get3A_109] {strides = array<i32>} : memref<80xf32, #tpu.memory_space<vmem>>, vector<16xf32>,
        %get3A_111 = arith.constant 49 : index
        %get3A_112 = tpu.vector_load %arg6[%get3A_111] {strides = array<i32>} : memref<80xf32, #tpu.memory_space<vmem>>, vector<16xf32>,
        %get3A_113 = arith.constant 0 : index
        %get3A_114 = tpu.vector_load %arg6[%get3A_113] {strides = array<i32>} : memref<80xf32, #tpu.memory_space<vmem>>, vector<16xf32>,
        %get3A_115 = arith.constant 16 : index
        %get3A_116 = tpu.vector_load %arg6[%get3A_115] {strides = array<i32>} : memref<80xf32, #tpu.memory_space<vmem>>, vector<16xf32>,
        %get3A_117 = arith.constant 32 : index
        %get3A_118 = tpu.vector_load %arg6[%get3A_117] {strides = array<i32>} : memref<80xf32, #tpu.memory_space<vmem>>, vector<16xf32>,
        %get3A_119 = arith.constant 48 : index
        %get3A_120 = tpu.vector_load %arg6[%get3A_119] {strides = array<i32>} : memref<80xf32, #tpu.memory_space<vmem>>, vector<16xf32>,
        %get3A_121 = arith.constant 1 : index
        %get3A_122 = tpu.vector_load %arg7[%get3A_121] {strides = array<i32>} : memref<80xi32, #tpu.memory_space<vmem>>, vector<16xi32>,
        %get3A_123 = arith.constant 17 : index
        %get3A_124 = tpu.vector_load %arg7[%get3A_123] {strides = array<i32>} : memref<80xi32, #tpu.memory_space<vmem>>, vector<16xi32>,
        %get3A_125 = arith.constant 33 : index
        %get3A_126 = tpu.vector_load %arg7[%get3A_125] {strides = array<i32>} : memref<80xi32, #tpu.memory_space<vmem>>, vector<16xi32>,
        %get3A_127 = arith.constant 49 : index
        %get3A_128 = tpu.vector_load %arg7[%get3A_127] {strides = array<i32>} : memref<80xi32, #tpu.memory_space<vmem>>, vector<16xi32>,
        %get3A_129 = arith.constant 0 : index
        %get3A_130 = tpu.vector_load %arg7[%get3A_129] {strides = array<i32>} : memref<80xi32, #tpu.memory_space<vmem>>, vector<16xi32>,
        %get3A_131 = arith.constant 16 : index
        %get3A_132 = tpu.vector_load %arg7[%get3A_131] {strides = array<i32>} : memref<80xi32, #tpu.memory_space<vmem>>, vector<16xi32>,
        %get3A_133 = arith.constant 32 : index
        %get3A_134 = tpu.vector_load %arg7[%get3A_133] {strides = array<i32>} : memref<80xi32, #tpu.memory_space<vmem>>, vector<16xi32>,
        %get3A_135 = arith.constant 48 : index
        %get3A_136 = tpu.vector_load %arg7[%get3A_135] {strides = array<i32>} : memref<80xi32, #tpu.memory_space<vmem>>, vector<16xi32>,
        %gt3A = vector.broadcast %squeeze3A : f32 to vector<16xf32>
        %gt3A_137 = arith.cmpf ogt, %get3A_106, %gt3A : vector<16xf32>
        %eq3A_138 = vector.broadcast %squeeze3A : f32 to vector<16xf32>
        %eq3A_139 = arith.cmpf oeq, %get3A_106, %eq3A_138 : vector<16xf32>
        %lt3A = vector.broadcast %squeeze3A_104 : i32 to vector<16xi32>
        %lt3A_140 = arith.cmpi slt, %get3A_122, %lt3A : vector<16xi32>
        %and3A_141 = arith.andi %eq3A_139, %lt3A_140 : vector<16xi1>
        %or3A = arith.ori %gt3A_137, %and3A_141 : vector<16xi1>
        %gt3A_142 = vector.broadcast %squeeze3A : f32 to vector<16xf32>
        %gt3A_143 = arith.cmpf ogt, %get3A_114, %gt3A_142 : vector<16xf32>
        %eq3A_144 = vector.broadcast %squeeze3A : f32 to vector<16xf32>
        %eq3A_145 = arith.cmpf oeq, %get3A_114, %eq3A_144 : vector<16xf32>
        %lt3A_146 = vector.broadcast %squeeze3A_104 : i32 to vector<16xi32>
        %lt3A_147 = arith.cmpi slt, %get3A_130, %lt3A_146 : vector<16xi32>
        %and3A_148 = arith.andi %eq3A_145, %lt3A_147 : vector<16xi1>
        %or3A_149 = arith.ori %gt3A_143, %and3A_148 : vector<16xi1>
        %min3A = vector.broadcast %squeeze3A : f32 to vector<16xf32>
        %min3A_150 = arith.minimumf %get3A_114, %min3A : vector<16xf32>
        %select_n3A_151 = arith.select %or3A, %get3A_106, %min3A_150 : vector<16xi1>, vector<16xf32>
        %broadcast_in_dim3A_152 = vector.broadcast %squeeze3A_104 : i32 to vector<16xi32>
        %select_n3A_153 = arith.select %or3A_149, %broadcast_in_dim3A_152, %get3A_130 : vector<16xi1>, vector<16xi32>
        %select_n3A_154 = arith.select %or3A, %get3A_122, %select_n3A_153 : vector<16xi1>, vector<16xi32>
        %swap3A_155 = arith.constant 1 : index
        %swap3A_156 = tpu.vector_load %arg6[%swap3A_155] {strides = array<i32>} : memref<80xf32, #tpu.memory_space<vmem>>, vector<16xf32>,
        tpu.vector_store %arg6[%swap3A_155], %select_n3A_151 {strides = array<i32>} : memref<80xf32, #tpu.memory_space<vmem>>, vector<16xf32>,
        %swap3A_157 = arith.constant 1 : index
        %swap3A_158 = tpu.vector_load %arg7[%swap3A_157] {strides = array<i32>} : memref<80xi32, #tpu.memory_space<vmem>>, vector<16xi32>,
        tpu.vector_store %arg7[%swap3A_157], %select_n3A_154 {strides = array<i32>} : memref<80xi32, #tpu.memory_space<vmem>>, vector<16xi32>,
        %gt3A_159 = vector.broadcast %squeeze3A : f32 to vector<16xf32>
        %gt3A_160 = arith.cmpf ogt, %get3A_108, %gt3A_159 : vector<16xf32>
        %eq3A_161 = vector.broadcast %squeeze3A : f32 to vector<16xf32>
        %eq3A_162 = arith.cmpf oeq, %get3A_108, %eq3A_161 : vector<16xf32>
        %lt3A_163 = vector.broadcast %squeeze3A_104 : i32 to vector<16xi32>
        %lt3A_164 = arith.cmpi slt, %get3A_124, %lt3A_163 : vector<16xi32>
        %and3A_165 = arith.andi %eq3A_162, %lt3A_164 : vector<16xi1>
        %or3A_166 = arith.ori %gt3A_160, %and3A_165 : vector<16xi1>
        %gt3A_167 = vector.broadcast %squeeze3A : f32 to vector<16xf32>
        %gt3A_168 = arith.cmpf ogt, %get3A_116, %gt3A_167 : vector<16xf32>
        %eq3A_169 = vector.broadcast %squeeze3A : f32 to vector<16xf32>
        %eq3A_170 = arith.cmpf oeq, %get3A_116, %eq3A_169 : vector<16xf32>
        %lt3A_171 = vector.broadcast %squeeze3A_104 : i32 to vector<16xi32>
        %lt3A_172 = arith.cmpi slt, %get3A_132, %lt3A_171 : vector<16xi32>
        %and3A_173 = arith.andi %eq3A_170, %lt3A_172 : vector<16xi1>
        %or3A_174 = arith.ori %gt3A_168, %and3A_173 : vector<16xi1>
        %min3A_175 = vector.broadcast %squeeze3A : f32 to vector<16xf32>
        %min3A_176 = arith.minimumf %get3A_116, %min3A_175 : vector<16xf32>
        %select_n3A_177 = arith.select %or3A_166, %get3A_108, %min3A_176 : vector<16xi1>, vector<16xf32>
        %broadcast_in_dim3A_178 = vector.broadcast %squeeze3A_104 : i32 to vector<16xi32>
        %select_n3A_179 = arith.select %or3A_174, %broadcast_in_dim3A_178, %get3A_132 : vector<16xi1>, vector<16xi32>
        %select_n3A_180 = arith.select %or3A_166, %get3A_124, %select_n3A_179 : vector<16xi1>, vector<16xi32>
        %swap3A_181 = arith.constant 17 : index
        %swap3A_182 = tpu.vector_load %arg6[%swap3A_181] {strides = array<i32>} : memref<80xf32, #tpu.memory_space<vmem>>, vector<16xf32>,
        tpu.vector_store %arg6[%swap3A_181], %select_n3A_177 {strides = array<i32>} : memref<80xf32, #tpu.memory_space<vmem>>, vector<16xf32>,
        %swap3A_183 = arith.constant 17 : index
        %swap3A_184 = tpu.vector_load %arg7[%swap3A_183] {strides = array<i32>} : memref<80xi32, #tpu.memory_space<vmem>>, vector<16xi32>,
        tpu.vector_store %arg7[%swap3A_183], %select_n3A_180 {strides = array<i32>} : memref<80xi32, #tpu.memory_space<vmem>>, vector<16xi32>,
        %gt3A_185 = vector.broadcast %squeeze3A : f32 to vector<16xf32>
        %gt3A_186 = arith.cmpf ogt, %get3A_110, %gt3A_185 : vector<16xf32>
        %eq3A_187 = vector.broadcast %squeeze3A : f32 to vector<16xf32>
        %eq3A_188 = arith.cmpf oeq, %get3A_110, %eq3A_187 : vector<16xf32>
        %lt3A_189 = vector.broadcast %squeeze3A_104 : i32 to vector<16xi32>
        %lt3A_190 = arith.cmpi slt, %get3A_126, %lt3A_189 : vector<16xi32>
        %and3A_191 = arith.andi %eq3A_188, %lt3A_190 : vector<16xi1>
        %or3A_192 = arith.ori %gt3A_186, %and3A_191 : vector<16xi1>
        %gt3A_193 = vector.broadcast %squeeze3A : f32 to vector<16xf32>
        %gt3A_194 = arith.cmpf ogt, %get3A_118, %gt3A_193 : vector<16xf32>
        %eq3A_195 = vector.broadcast %squeeze3A : f32 to vector<16xf32>
        %eq3A_196 = arith.cmpf oeq, %get3A_118, %eq3A_195 : vector<16xf32>
        %lt3A_197 = vector.broadcast %squeeze3A_104 : i32 to vector<16xi32>
        %lt3A_198 = arith.cmpi slt, %get3A_134, %lt3A_197 : vector<16xi32>
        %and3A_199 = arith.andi %eq3A_196, %lt3A_198 : vector<16xi1>
        %or3A_200 = arith.ori %gt3A_194, %and3A_199 : vector<16xi1>
        %min3A_201 = vector.broadcast %squeeze3A : f32 to vector<16xf32>
        %min3A_202 = arith.minimumf %get3A_118, %min3A_201 : vector<16xf32>
        %select_n3A_203 = arith.select %or3A_192, %get3A_110, %min3A_202 : vector<16xi1>, vector<16xf32>
        %broadcast_in_dim3A_204 = vector.broadcast %squeeze3A_104 : i32 to vector<16xi32>
        %select_n3A_205 = arith.select %or3A_200, %broadcast_in_dim3A_204, %get3A_134 : vector<16xi1>, vector<16xi32>
        %select_n3A_206 = arith.select %or3A_192, %get3A_126, %select_n3A_205 : vector<16xi1>, vector<16xi32>
        %swap3A_207 = arith.constant 33 : index
        %swap3A_208 = tpu.vector_load %arg6[%swap3A_207] {strides = array<i32>} : memref<80xf32, #tpu.memory_space<vmem>>, vector<16xf32>,
        tpu.vector_store %arg6[%swap3A_207], %select_n3A_203 {strides = array<i32>} : memref<80xf32, #tpu.memory_space<vmem>>, vector<16xf32>,
        %swap3A_209 = arith.constant 33 : index
        %swap3A_210 = tpu.vector_load %arg7[%swap3A_209] {strides = array<i32>} : memref<80xi32, #tpu.memory_space<vmem>>, vector<16xi32>,
        tpu.vector_store %arg7[%swap3A_209], %select_n3A_206 {strides = array<i32>} : memref<80xi32, #tpu.memory_space<vmem>>, vector<16xi32>,
        %gt3A_211 = vector.broadcast %squeeze3A : f32 to vector<16xf32>
        %gt3A_212 = arith.cmpf ogt, %get3A_112, %gt3A_211 : vector<16xf32>
        %eq3A_213 = vector.broadcast %squeeze3A : f32 to vector<16xf32>
        %eq3A_214 = arith.cmpf oeq, %get3A_112, %eq3A_213 : vector<16xf32>
        %lt3A_215 = vector.broadcast %squeeze3A_104 : i32 to vector<16xi32>
        %lt3A_216 = arith.cmpi slt, %get3A_128, %lt3A_215 : vector<16xi32>
        %and3A_217 = arith.andi %eq3A_214, %lt3A_216 : vector<16xi1>
        %or3A_218 = arith.ori %gt3A_212, %and3A_217 : vector<16xi1>
        %gt3A_219 = vector.broadcast %squeeze3A : f32 to vector<16xf32>
        %gt3A_220 = arith.cmpf ogt, %get3A_120, %gt3A_219 : vector<16xf32>
        %eq3A_221 = vector.broadcast %squeeze3A : f32 to vector<16xf32>
        %eq3A_222 = arith.cmpf oeq, %get3A_120, %eq3A_221 : vector<16xf32>
        %lt3A_223 = vector.broadcast %squeeze3A_104 : i32 to vector<16xi32>
        %lt3A_224 = arith.cmpi slt, %get3A_136, %lt3A_223 : vector<16xi32>
        %and3A_225 = arith.andi %eq3A_222, %lt3A_224 : vector<16xi1>
        %or3A_226 = arith.ori %gt3A_220, %and3A_225 : vector<16xi1>
        %min3A_227 = vector.broadcast %squeeze3A : f32 to vector<16xf32>
        %min3A_228 = arith.minimumf %get3A_120, %min3A_227 : vector<16xf32>
        %select_n3A_229 = arith.select %or3A_218, %get3A_112, %min3A_228 : vector<16xi1>, vector<16xf32>
        %broadcast_in_dim3A_230 = vector.broadcast %squeeze3A_104 : i32 to vector<16xi32>
        %select_n3A_231 = arith.select %or3A_226, %broadcast_in_dim3A_230, %get3A_136 : vector<16xi1>, vector<16xi32>
        %select_n3A_232 = arith.select %or3A_218, %get3A_128, %select_n3A_231 : vector<16xi1>, vector<16xi32>
        %swap3A_233 = arith.constant 49 : index
        %swap3A_234 = tpu.vector_load %arg6[%swap3A_233] {strides = array<i32>} : memref<80xf32, #tpu.memory_space<vmem>>, vector<16xf32>,
        tpu.vector_store %arg6[%swap3A_233], %select_n3A_229 {strides = array<i32>} : memref<80xf32, #tpu.memory_space<vmem>>, vector<16xf32>,
        %swap3A_235 = arith.constant 49 : index
        %swap3A_236 = tpu.vector_load %arg7[%swap3A_235] {strides = array<i32>} : memref<80xi32, #tpu.memory_space<vmem>>, vector<16xi32>,
        tpu.vector_store %arg7[%swap3A_235], %select_n3A_232 {strides = array<i32>} : memref<80xi32, #tpu.memory_space<vmem>>, vector<16xi32>,
        %add3A_237 = arith.constant 1 : i32
        %add3A_238 = arith.addi %while3A_98, %add3A_237 : i32
        scf.yield %add3A_238 : i32
      }
    }
    %scan3A = arith.constant 0 : i32
    %scan3A_71 = arith.constant 0xFF800000 : f32
    %scan3A_72 = arith.constant 0 : i32
    %scan3A_73 = arith.constant 128 : i32
    %scan3A_74 = arith.addi %scan3A_72, %scan3A_73 : i32
    %scan3A_75 = arith.constant 1 : i32
    scf.for %scan3A_81 = %scan3A_72 to %scan3A_74 step %scan3A_75  : i32 {
      %add3A_82 = arith.addi %mul3A_2, %scan3A_81 : i32
      %get3A = arith.index_cast %add3A_82 : i32 to index
      %get3A_83 = tpu.vector_load %arg5[%get3A] {strides = array<i32>} : memref<4112xf32, #tpu.memory_space<vmem>>, vector<16xf32>,
      %slice3A = vector.extract_strided_slice %get3A_83 {offsets = [0], sizes = [1], strides = [1]} : vector<16xf32> to vector<1xf32>
      %squeeze3A = vector.extract %slice3A[0] : f32 from vector<1xf32>
      %get3A_84 = arith.constant 1 : index
      %get3A_85 = tpu.vector_load %arg6[%get3A_84] {strides = array<i32>} : memref<80xf32, #tpu.memory_space<vmem>>, vector<16xf32>,
      %get3A_86 = arith.constant 1 : index
      %get3A_87 = tpu.vector_load %arg7[%get3A_86] {strides = array<i32>} : memref<80xi32, #tpu.memory_space<vmem>>, vector<16xi32>,
      %eq3A_88 = vector.broadcast %scan3A_71 : f32 to vector<16xf32>
      %eq3A_89 = arith.cmpf oeq, %get3A_85, %eq3A_88 : vector<16xf32>
      %add3A_90 = arith.constant 0 : i32
      %add3A_91 = vector.broadcast %add3A_90 : i32 to vector<16xi32>
      %add3A_92 = arith.addi %iota3A, %add3A_91 : vector<16xi32>
      %select_n3A_93 = arith.select %eq3A_89, %add3A_92, %get3A_87 : vector<16xi1>, vector<16xi32>
      %add3A_94 = vector.broadcast %squeeze3A : f32 to vector<16xf32>
      %add3A_95 = arith.addf %add3A_94, %get3A_85 : vector<16xf32>
      %mul3A_96 = arith.constant 64 : i32
      %mul3A_97 = arith.muli %scan3A_81, %mul3A_96 : i32
      %add3A_98 = arith.constant 0 : i32
      %add3A_99 = arith.addi %mul3A_97, %add3A_98 : i32
      %swap3A_100 = arith.index_cast %add3A_99 : i32 to index
      %swap3A_101 = tpu.vector_load %arg10[%swap3A_100] {strides = array<i32>} : memref<8192xf32, #tpu.memory_space<vmem>>, vector<16xf32>,
      tpu.vector_store %arg10[%swap3A_100], %add3A_95 {strides = array<i32>} : memref<8192xf32, #tpu.memory_space<vmem>>, vector<16xf32>,
      %mul3A_102 = arith.constant 64 : i32
      %mul3A_103 = arith.muli %scan3A_81, %mul3A_102 : i32
      %add3A_104 = arith.constant 0 : i32
      %add3A_105 = arith.addi %mul3A_103, %add3A_104 : i32
      %swap3A_106 = arith.index_cast %add3A_105 : i32 to index
      %swap3A_107 = tpu.vector_load %arg11[%swap3A_106] {strides = array<i32>} : memref<8192xi32, #tpu.memory_space<vmem>>, vector<16xi32>,
      tpu.vector_store %arg11[%swap3A_106], %select_n3A_93 {strides = array<i32>} : memref<8192xi32, #tpu.memory_space<vmem>>, vector<16xi32>,
      %get3A_108 = arith.constant 17 : index
      %get3A_109 = tpu.vector_load %arg6[%get3A_108] {strides = array<i32>} : memref<80xf32, #tpu.memory_space<vmem>>, vector<16xf32>,
      %get3A_110 = arith.constant 17 : index
      %get3A_111 = tpu.vector_load %arg7[%get3A_110] {strides = array<i32>} : memref<80xi32, #tpu.memory_space<vmem>>, vector<16xi32>,
      %eq3A_112 = vector.broadcast %scan3A_71 : f32 to vector<16xf32>
      %eq3A_113 = arith.cmpf oeq, %get3A_109, %eq3A_112 : vector<16xf32>
      %add3A_114 = arith.constant 16 : i32
      %add3A_115 = vector.broadcast %add3A_114 : i32 to vector<16xi32>
      %add3A_116 = arith.addi %iota3A, %add3A_115 : vector<16xi32>
      %select_n3A_117 = arith.select %eq3A_113, %add3A_116, %get3A_111 : vector<16xi1>, vector<16xi32>
      %add3A_118 = vector.broadcast %squeeze3A : f32 to vector<16xf32>
      %add3A_119 = arith.addf %add3A_118, %get3A_109 : vector<16xf32>
      %mul3A_120 = arith.constant 64 : i32
      %mul3A_121 = arith.muli %scan3A_81, %mul3A_120 : i32
      %add3A_122 = arith.constant 16 : i32
      %add3A_123 = arith.addi %mul3A_121, %add3A_122 : i32
      %swap3A_124 = arith.index_cast %add3A_123 : i32 to index
      %swap3A_125 = tpu.vector_load %arg10[%swap3A_124] {strides = array<i32>} : memref<8192xf32, #tpu.memory_space<vmem>>, vector<16xf32>,
      tpu.vector_store %arg10[%swap3A_124], %add3A_119 {strides = array<i32>} : memref<8192xf32, #tpu.memory_space<vmem>>, vector<16xf32>,
      %mul3A_126 = arith.constant 64 : i32
      %mul3A_127 = arith.muli %scan3A_81, %mul3A_126 : i32
      %add3A_128 = arith.constant 16 : i32
      %add3A_129 = arith.addi %mul3A_127, %add3A_128 : i32
      %swap3A_130 = arith.index_cast %add3A_129 : i32 to index
      %swap3A_131 = tpu.vector_load %arg11[%swap3A_130] {strides = array<i32>} : memref<8192xi32, #tpu.memory_space<vmem>>, vector<16xi32>,
      tpu.vector_store %arg11[%swap3A_130], %select_n3A_117 {strides = array<i32>} : memref<8192xi32, #tpu.memory_space<vmem>>, vector<16xi32>,
      %get3A_132 = arith.constant 33 : index
      %get3A_133 = tpu.vector_load %arg6[%get3A_132] {strides = array<i32>} : memref<80xf32, #tpu.memory_space<vmem>>, vector<16xf32>,
      %get3A_134 = arith.constant 33 : index
      %get3A_135 = tpu.vector_load %arg7[%get3A_134] {strides = array<i32>} : memref<80xi32, #tpu.memory_space<vmem>>, vector<16xi32>,
      %eq3A_136 = vector.broadcast %scan3A_71 : f32 to vector<16xf32>
      %eq3A_137 = arith.cmpf oeq, %get3A_133, %eq3A_136 : vector<16xf32>
      %add3A_138 = arith.constant 32 : i32
      %add3A_139 = vector.broadcast %add3A_138 : i32 to vector<16xi32>
      %add3A_140 = arith.addi %iota3A, %add3A_139 : vector<16xi32>
      %select_n3A_141 = arith.select %eq3A_137, %add3A_140, %get3A_135 : vector<16xi1>, vector<16xi32>
      %add3A_142 = vector.broadcast %squeeze3A : f32 to vector<16xf32>
      %add3A_143 = arith.addf %add3A_142, %get3A_133 : vector<16xf32>
      %mul3A_144 = arith.constant 64 : i32
      %mul3A_145 = arith.muli %scan3A_81, %mul3A_144 : i32
      %add3A_146 = arith.constant 32 : i32
      %add3A_147 = arith.addi %mul3A_145, %add3A_146 : i32
      %swap3A_148 = arith.index_cast %add3A_147 : i32 to index
      %swap3A_149 = tpu.vector_load %arg10[%swap3A_148] {strides = array<i32>} : memref<8192xf32, #tpu.memory_space<vmem>>, vector<16xf32>,
      tpu.vector_store %arg10[%swap3A_148], %add3A_143 {strides = array<i32>} : memref<8192xf32, #tpu.memory_space<vmem>>, vector<16xf32>,
      %mul3A_150 = arith.constant 64 : i32
      %mul3A_151 = arith.muli %scan3A_81, %mul3A_150 : i32
      %add3A_152 = arith.constant 32 : i32
      %add3A_153 = arith.addi %mul3A_151, %add3A_152 : i32
      %swap3A_154 = arith.index_cast %add3A_153 : i32 to index
      %swap3A_155 = tpu.vector_load %arg11[%swap3A_154] {strides = array<i32>} : memref<8192xi32, #tpu.memory_space<vmem>>, vector<16xi32>,
      tpu.vector_store %arg11[%swap3A_154], %select_n3A_141 {strides = array<i32>} : memref<8192xi32, #tpu.memory_space<vmem>>, vector<16xi32>,
      %get3A_156 = arith.constant 49 : index
      %get3A_157 = tpu.vector_load %arg6[%get3A_156] {strides = array<i32>} : memref<80xf32, #tpu.memory_space<vmem>>, vector<16xf32>,
      %get3A_158 = arith.constant 49 : index
      %get3A_159 = tpu.vector_load %arg7[%get3A_158] {strides = array<i32>} : memref<80xi32, #tpu.memory_space<vmem>>, vector<16xi32>,
      %eq3A_160 = vector.broadcast %scan3A_71 : f32 to vector<16xf32>
      %eq3A_161 = arith.cmpf oeq, %get3A_157, %eq3A_160 : vector<16xf32>
      %add3A_162 = arith.constant 48 : i32
      %add3A_163 = vector.broadcast %add3A_162 : i32 to vector<16xi32>
      %add3A_164 = arith.addi %iota3A, %add3A_163 : vector<16xi32>
      %select_n3A_165 = arith.select %eq3A_161, %add3A_164, %get3A_159 : vector<16xi1>, vector<16xi32>
      %add3A_166 = vector.broadcast %squeeze3A : f32 to vector<16xf32>
      %add3A_167 = arith.addf %add3A_166, %get3A_157 : vector<16xf32>
      %mul3A_168 = arith.constant 64 : i32
      %mul3A_169 = arith.muli %scan3A_81, %mul3A_168 : i32
      %add3A_170 = arith.constant 48 : i32
      %add3A_171 = arith.addi %mul3A_169, %add3A_170 : i32
      %swap3A_172 = arith.index_cast %add3A_171 : i32 to index
      %swap3A_173 = tpu.vector_load %arg10[%swap3A_172] {strides = array<i32>} : memref<8192xf32, #tpu.memory_space<vmem>>, vector<16xf32>,
      tpu.vector_store %arg10[%swap3A_172], %add3A_167 {strides = array<i32>} : memref<8192xf32, #tpu.memory_space<vmem>>, vector<16xf32>,
      %mul3A_174 = arith.constant 64 : i32
      %mul3A_175 = arith.muli %scan3A_81, %mul3A_174 : i32
      %add3A_176 = arith.constant 48 : i32
      %add3A_177 = arith.addi %mul3A_175, %add3A_176 : i32
      %swap3A_178 = arith.index_cast %add3A_177 : i32 to index
      %swap3A_179 = tpu.vector_load %arg11[%swap3A_178] {strides = array<i32>} : memref<8192xi32, #tpu.memory_space<vmem>>, vector<16xi32>,
      tpu.vector_store %arg11[%swap3A_178], %select_n3A_165 {strides = array<i32>} : memref<8192xi32, #tpu.memory_space<vmem>>, vector<16xi32>,
      %get3A_180 = arith.constant 64 : index
      %get3A_181 = tpu.vector_load %arg6[%get3A_180] {strides = array<i32>} : memref<80xf32, #tpu.memory_space<vmem>>, vector<16xf32>,
      %slice3A_182 = vector.extract_strided_slice %get3A_181 {offsets = [0], sizes = [1], strides = [1]} : vector<16xf32> to vector<1xf32>
      %squeeze3A_183 = vector.extract %slice3A_182[0] : f32 from vector<1xf32>
      %gt3A = arith.cmpf ogt, %squeeze3A, %squeeze3A_183 : f32
      %convert_element_type3A = arith.extui %gt3A : i1 to i32
      %cond3A = arith.constant 0 : i32
      %cond3A_184 = arith.cmpi ne, %convert_element_type3A, %cond3A : i32
      scf.if %cond3A_184 {
        %get3A_185 = arith.constant 1 : index
        %get3A_186 = tpu.vector_load %arg6[%get3A_185] {strides = array<i32>} : memref<80xf32, #tpu.memory_space<vmem>>, vector<16xf32>,
        %get3A_187 = arith.constant 17 : index
        %get3A_188 = tpu.vector_load %arg6[%get3A_187] {strides = array<i32>} : memref<80xf32, #tpu.memory_space<vmem>>, vector<16xf32>,
        %get3A_189 = arith.constant 33 : index
        %get3A_190 = tpu.vector_load %arg6[%get3A_189] {strides = array<i32>} : memref<80xf32, #tpu.memory_space<vmem>>, vector<16xf32>,
        %get3A_191 = arith.constant 49 : index
        %get3A_192 = tpu.vector_load %arg6[%get3A_191] {strides = array<i32>} : memref<80xf32, #tpu.memory_space<vmem>>, vector<16xf32>,
        %get3A_193 = arith.constant 0 : index
        %get3A_194 = tpu.vector_load %arg6[%get3A_193] {strides = array<i32>} : memref<80xf32, #tpu.memory_space<vmem>>, vector<16xf32>,
        %get3A_195 = arith.constant 16 : index
        %get3A_196 = tpu.vector_load %arg6[%get3A_195] {strides = array<i32>} : memref<80xf32, #tpu.memory_space<vmem>>, vector<16xf32>,
        %get3A_197 = arith.constant 32 : index
        %get3A_198 = tpu.vector_load %arg6[%get3A_197] {strides = array<i32>} : memref<80xf32, #tpu.memory_space<vmem>>, vector<16xf32>,
        %get3A_199 = arith.constant 48 : index
        %get3A_200 = tpu.vector_load %arg6[%get3A_199] {strides = array<i32>} : memref<80xf32, #tpu.memory_space<vmem>>, vector<16xf32>,
        %get3A_201 = arith.constant 1 : index
        %get3A_202 = tpu.vector_load %arg7[%get3A_201] {strides = array<i32>} : memref<80xi32, #tpu.memory_space<vmem>>, vector<16xi32>,
        %get3A_203 = arith.constant 17 : index
        %get3A_204 = tpu.vector_load %arg7[%get3A_203] {strides = array<i32>} : memref<80xi32, #tpu.memory_space<vmem>>, vector<16xi32>,
        %get3A_205 = arith.constant 33 : index
        %get3A_206 = tpu.vector_load %arg7[%get3A_205] {strides = array<i32>} : memref<80xi32, #tpu.memory_space<vmem>>, vector<16xi32>,
        %get3A_207 = arith.constant 49 : index
        %get3A_208 = tpu.vector_load %arg7[%get3A_207] {strides = array<i32>} : memref<80xi32, #tpu.memory_space<vmem>>, vector<16xi32>,
        %get3A_209 = arith.constant 0 : index
        %get3A_210 = tpu.vector_load %arg7[%get3A_209] {strides = array<i32>} : memref<80xi32, #tpu.memory_space<vmem>>, vector<16xi32>,
        %get3A_211 = arith.constant 16 : index
        %get3A_212 = tpu.vector_load %arg7[%get3A_211] {strides = array<i32>} : memref<80xi32, #tpu.memory_space<vmem>>, vector<16xi32>,
        %get3A_213 = arith.constant 32 : index
        %get3A_214 = tpu.vector_load %arg7[%get3A_213] {strides = array<i32>} : memref<80xi32, #tpu.memory_space<vmem>>, vector<16xi32>,
        %get3A_215 = arith.constant 48 : index
        %get3A_216 = tpu.vector_load %arg7[%get3A_215] {strides = array<i32>} : memref<80xi32, #tpu.memory_space<vmem>>, vector<16xi32>,
        %gt3A_217 = vector.broadcast %squeeze3A : f32 to vector<16xf32>
        %gt3A_218 = arith.cmpf ogt, %get3A_186, %gt3A_217 : vector<16xf32>
        %eq3A_219 = vector.broadcast %squeeze3A : f32 to vector<16xf32>
        %eq3A_220 = arith.cmpf oeq, %get3A_186, %eq3A_219 : vector<16xf32>
        %lt3A = vector.broadcast %add3A_82 : i32 to vector<16xi32>
        %lt3A_221 = arith.cmpi slt, %get3A_202, %lt3A : vector<16xi32>
        %and3A_222 = arith.andi %eq3A_220, %lt3A_221 : vector<16xi1>
        %or3A = arith.ori %gt3A_218, %and3A_222 : vector<16xi1>
        %gt3A_223 = vector.broadcast %squeeze3A : f32 to vector<16xf32>
        %gt3A_224 = arith.cmpf ogt, %get3A_194, %gt3A_223 : vector<16xf32>
        %eq3A_225 = vector.broadcast %squeeze3A : f32 to vector<16xf32>
        %eq3A_226 = arith.cmpf oeq, %get3A_194, %eq3A_225 : vector<16xf32>
        %lt3A_227 = vector.broadcast %add3A_82 : i32 to vector<16xi32>
        %lt3A_228 = arith.cmpi slt, %get3A_210, %lt3A_227 : vector<16xi32>
        %and3A_229 = arith.andi %eq3A_226, %lt3A_228 : vector<16xi1>
        %or3A_230 = arith.ori %gt3A_224, %and3A_229 : vector<16xi1>
        %min3A = vector.broadcast %squeeze3A : f32 to vector<16xf32>
        %min3A_231 = arith.minimumf %get3A_194, %min3A : vector<16xf32>
        %select_n3A_232 = arith.select %or3A, %get3A_186, %min3A_231 : vector<16xi1>, vector<16xf32>
        %broadcast_in_dim3A_233 = vector.broadcast %add3A_82 : i32 to vector<16xi32>
        %select_n3A_234 = arith.select %or3A_230, %broadcast_in_dim3A_233, %get3A_210 : vector<16xi1>, vector<16xi32>
        %select_n3A_235 = arith.select %or3A, %get3A_202, %select_n3A_234 : vector<16xi1>, vector<16xi32>
        %swap3A_236 = arith.constant 1 : index
        %swap3A_237 = tpu.vector_load %arg6[%swap3A_236] {strides = array<i32>} : memref<80xf32, #tpu.memory_space<vmem>>, vector<16xf32>,
        tpu.vector_store %arg6[%swap3A_236], %select_n3A_232 {strides = array<i32>} : memref<80xf32, #tpu.memory_space<vmem>>, vector<16xf32>,
        %swap3A_238 = arith.constant 1 : index
        %swap3A_239 = tpu.vector_load %arg7[%swap3A_238] {strides = array<i32>} : memref<80xi32, #tpu.memory_space<vmem>>, vector<16xi32>,
        tpu.vector_store %arg7[%swap3A_238], %select_n3A_235 {strides = array<i32>} : memref<80xi32, #tpu.memory_space<vmem>>, vector<16xi32>,
        %gt3A_240 = vector.broadcast %squeeze3A : f32 to vector<16xf32>
        %gt3A_241 = arith.cmpf ogt, %get3A_188, %gt3A_240 : vector<16xf32>
        %eq3A_242 = vector.broadcast %squeeze3A : f32 to vector<16xf32>
        %eq3A_243 = arith.cmpf oeq, %get3A_188, %eq3A_242 : vector<16xf32>
        %lt3A_244 = vector.broadcast %add3A_82 : i32 to vector<16xi32>
        %lt3A_245 = arith.cmpi slt, %get3A_204, %lt3A_244 : vector<16xi32>
        %and3A_246 = arith.andi %eq3A_243, %lt3A_245 : vector<16xi1>
        %or3A_247 = arith.ori %gt3A_241, %and3A_246 : vector<16xi1>
        %gt3A_248 = vector.broadcast %squeeze3A : f32 to vector<16xf32>
        %gt3A_249 = arith.cmpf ogt, %get3A_196, %gt3A_248 : vector<16xf32>
        %eq3A_250 = vector.broadcast %squeeze3A : f32 to vector<16xf32>
        %eq3A_251 = arith.cmpf oeq, %get3A_196, %eq3A_250 : vector<16xf32>
        %lt3A_252 = vector.broadcast %add3A_82 : i32 to vector<16xi32>
        %lt3A_253 = arith.cmpi slt, %get3A_212, %lt3A_252 : vector<16xi32>
        %and3A_254 = arith.andi %eq3A_251, %lt3A_253 : vector<16xi1>
        %or3A_255 = arith.ori %gt3A_249, %and3A_254 : vector<16xi1>
        %min3A_256 = vector.broadcast %squeeze3A : f32 to vector<16xf32>
        %min3A_257 = arith.minimumf %get3A_196, %min3A_256 : vector<16xf32>
        %select_n3A_258 = arith.select %or3A_247, %get3A_188, %min3A_257 : vector<16xi1>, vector<16xf32>
        %broadcast_in_dim3A_259 = vector.broadcast %add3A_82 : i32 to vector<16xi32>
        %select_n3A_260 = arith.select %or3A_255, %broadcast_in_dim3A_259, %get3A_212 : vector<16xi1>, vector<16xi32>
        %select_n3A_261 = arith.select %or3A_247, %get3A_204, %select_n3A_260 : vector<16xi1>, vector<16xi32>
        %swap3A_262 = arith.constant 17 : index
        %swap3A_263 = tpu.vector_load %arg6[%swap3A_262] {strides = array<i32>} : memref<80xf32, #tpu.memory_space<vmem>>, vector<16xf32>,
        tpu.vector_store %arg6[%swap3A_262], %select_n3A_258 {strides = array<i32>} : memref<80xf32, #tpu.memory_space<vmem>>, vector<16xf32>,
        %swap3A_264 = arith.constant 17 : index
        %swap3A_265 = tpu.vector_load %arg7[%swap3A_264] {strides = array<i32>} : memref<80xi32, #tpu.memory_space<vmem>>, vector<16xi32>,
        tpu.vector_store %arg7[%swap3A_264], %select_n3A_261 {strides = array<i32>} : memref<80xi32, #tpu.memory_space<vmem>>, vector<16xi32>,
        %gt3A_266 = vector.broadcast %squeeze3A : f32 to vector<16xf32>
        %gt3A_267 = arith.cmpf ogt, %get3A_190, %gt3A_266 : vector<16xf32>
        %eq3A_268 = vector.broadcast %squeeze3A : f32 to vector<16xf32>
        %eq3A_269 = arith.cmpf oeq, %get3A_190, %eq3A_268 : vector<16xf32>
        %lt3A_270 = vector.broadcast %add3A_82 : i32 to vector<16xi32>
        %lt3A_271 = arith.cmpi slt, %get3A_206, %lt3A_270 : vector<16xi32>
        %and3A_272 = arith.andi %eq3A_269, %lt3A_271 : vector<16xi1>
        %or3A_273 = arith.ori %gt3A_267, %and3A_272 : vector<16xi1>
        %gt3A_274 = vector.broadcast %squeeze3A : f32 to vector<16xf32>
        %gt3A_275 = arith.cmpf ogt, %get3A_198, %gt3A_274 : vector<16xf32>
        %eq3A_276 = vector.broadcast %squeeze3A : f32 to vector<16xf32>
        %eq3A_277 = arith.cmpf oeq, %get3A_198, %eq3A_276 : vector<16xf32>
        %lt3A_278 = vector.broadcast %add3A_82 : i32 to vector<16xi32>
        %lt3A_279 = arith.cmpi slt, %get3A_214, %lt3A_278 : vector<16xi32>
        %and3A_280 = arith.andi %eq3A_277, %lt3A_279 : vector<16xi1>
        %or3A_281 = arith.ori %gt3A_275, %and3A_280 : vector<16xi1>
        %min3A_282 = vector.broadcast %squeeze3A : f32 to vector<16xf32>
        %min3A_283 = arith.minimumf %get3A_198, %min3A_282 : vector<16xf32>
        %select_n3A_284 = arith.select %or3A_273, %get3A_190, %min3A_283 : vector<16xi1>, vector<16xf32>
        %broadcast_in_dim3A_285 = vector.broadcast %add3A_82 : i32 to vector<16xi32>
        %select_n3A_286 = arith.select %or3A_281, %broadcast_in_dim3A_285, %get3A_214 : vector<16xi1>, vector<16xi32>
        %select_n3A_287 = arith.select %or3A_273, %get3A_206, %select_n3A_286 : vector<16xi1>, vector<16xi32>
        %swap3A_288 = arith.constant 33 : index
        %swap3A_289 = tpu.vector_load %arg6[%swap3A_288] {strides = array<i32>} : memref<80xf32, #tpu.memory_space<vmem>>, vector<16xf32>,
        tpu.vector_store %arg6[%swap3A_288], %select_n3A_284 {strides = array<i32>} : memref<80xf32, #tpu.memory_space<vmem>>, vector<16xf32>,
        %swap3A_290 = arith.constant 33 : index
        %swap3A_291 = tpu.vector_load %arg7[%swap3A_290] {strides = array<i32>} : memref<80xi32, #tpu.memory_space<vmem>>, vector<16xi32>,
        tpu.vector_store %arg7[%swap3A_290], %select_n3A_287 {strides = array<i32>} : memref<80xi32, #tpu.memory_space<vmem>>, vector<16xi32>,
        %gt3A_292 = vector.broadcast %squeeze3A : f32 to vector<16xf32>
        %gt3A_293 = arith.cmpf ogt, %get3A_192, %gt3A_292 : vector<16xf32>
        %eq3A_294 = vector.broadcast %squeeze3A : f32 to vector<16xf32>
        %eq3A_295 = arith.cmpf oeq, %get3A_192, %eq3A_294 : vector<16xf32>
        %lt3A_296 = vector.broadcast %add3A_82 : i32 to vector<16xi32>
        %lt3A_297 = arith.cmpi slt, %get3A_208, %lt3A_296 : vector<16xi32>
        %and3A_298 = arith.andi %eq3A_295, %lt3A_297 : vector<16xi1>
        %or3A_299 = arith.ori %gt3A_293, %and3A_298 : vector<16xi1>
        %gt3A_300 = vector.broadcast %squeeze3A : f32 to vector<16xf32>
        %gt3A_301 = arith.cmpf ogt, %get3A_200, %gt3A_300 : vector<16xf32>
        %eq3A_302 = vector.broadcast %squeeze3A : f32 to vector<16xf32>
        %eq3A_303 = arith.cmpf oeq, %get3A_200, %eq3A_302 : vector<16xf32>
        %lt3A_304 = vector.broadcast %add3A_82 : i32 to vector<16xi32>
        %lt3A_305 = arith.cmpi slt, %get3A_216, %lt3A_304 : vector<16xi32>
        %and3A_306 = arith.andi %eq3A_303, %lt3A_305 : vector<16xi1>
        %or3A_307 = arith.ori %gt3A_301, %and3A_306 : vector<16xi1>
        %min3A_308 = vector.broadcast %squeeze3A : f32 to vector<16xf32>
        %min3A_309 = arith.minimumf %get3A_200, %min3A_308 : vector<16xf32>
        %select_n3A_310 = arith.select %or3A_299, %get3A_192, %min3A_309 : vector<16xi1>, vector<16xf32>
        %broadcast_in_dim3A_311 = vector.broadcast %add3A_82 : i32 to vector<16xi32>
        %select_n3A_312 = arith.select %or3A_307, %broadcast_in_dim3A_311, %get3A_216 : vector<16xi1>, vector<16xi32>
        %select_n3A_313 = arith.select %or3A_299, %get3A_208, %select_n3A_312 : vector<16xi1>, vector<16xi32>
        %swap3A_314 = arith.constant 49 : index
        %swap3A_315 = tpu.vector_load %arg6[%swap3A_314] {strides = array<i32>} : memref<80xf32, #tpu.memory_space<vmem>>, vector<16xf32>,
        tpu.vector_store %arg6[%swap3A_314], %select_n3A_310 {strides = array<i32>} : memref<80xf32, #tpu.memory_space<vmem>>, vector<16xf32>,
        %swap3A_316 = arith.constant 49 : index
        %swap3A_317 = tpu.vector_load %arg7[%swap3A_316] {strides = array<i32>} : memref<80xi32, #tpu.memory_space<vmem>>, vector<16xi32>,
        tpu.vector_store %arg7[%swap3A_316], %select_n3A_313 {strides = array<i32>} : memref<80xi32, #tpu.memory_space<vmem>>, vector<16xi32>,
      } else {
      }
    }
    %scan3A_76 = arith.constant 128 : i32
    %mul3A_77 = arith.constant 64 : i32
    %mul3A_78 = arith.muli %mul3A_2, %mul3A_77 : i32
    "tpu.region"() ({
      %run_scoped3A = tpu.sem_alloc : memref<!tpu.dma_semaphore, #tpu.memory_space<semaphore_mem>>
      %dma_start3A = tpu.memref_slice %arg3[%mul3A_78] : memref<262144xf32, #tpu.memory_space<hbm>> -> memref<8192xf32, #tpu.memory_space<hbm>>
      %dma_start3A_81 = tpu.memref_slice %arg3[%mul3A_78] : memref<262144xf32, #tpu.memory_space<hbm>> -> memref<8192xf32, #tpu.memory_space<hbm>>
      tpu.enqueue_dma source(%arg10 : memref<8192xf32, #tpu.memory_space<vmem>>) target(%dma_start3A_81 : memref<8192xf32, #tpu.memory_space<hbm>>) target_semaphore(%run_scoped3A : memref<!tpu.dma_semaphore, #tpu.memory_space<semaphore_mem>>)
      %dma_wait3A = tpu.memref_slice %arg3[%mul3A_78] : memref<262144xf32, #tpu.memory_space<hbm>> -> memref<8192xf32, #tpu.memory_space<hbm>>
      %dma_wait3A_82 = tpu.memref_slice %arg3[%mul3A_78] : memref<262144xf32, #tpu.memory_space<hbm>> -> memref<8192xf32, #tpu.memory_space<hbm>>
      tpu.wait_dma2 semaphore(%run_scoped3A : memref<!tpu.dma_semaphore, #tpu.memory_space<semaphore_mem>>) src(%arg10 : memref<8192xf32, #tpu.memory_space<vmem>>) dst(%dma_wait3A_82 : memref<8192xf32, #tpu.memory_space<hbm>>)
      tpu.yield
    }) : () -> ()
    %mul3A_79 = arith.constant 64 : i32
    %mul3A_80 = arith.muli %mul3A_2, %mul3A_79 : i32
    "tpu.region"() ({
      %run_scoped3A = tpu.sem_alloc : memref<!tpu.dma_semaphore, #tpu.memory_space<semaphore_mem>>
      %dma_start3A = tpu.memref_slice %arg4[%mul3A_80] : memref<262144xi32, #tpu.memory_space<hbm>> -> memref<8192xi32, #tpu.memory_space<hbm>>
      %dma_start3A_81 = tpu.memref_slice %arg4[%mul3A_80] : memref<262144xi32, #tpu.memory_space<hbm>> -> memref<8192xi32, #tpu.memory_space<hbm>>
      tpu.enqueue_dma source(%arg11 : memref<8192xi32, #tpu.memory_space<vmem>>) target(%dma_start3A_81 : memref<8192xi32, #tpu.memory_space<hbm>>) target_semaphore(%run_scoped3A : memref<!tpu.dma_semaphore, #tpu.memory_space<semaphore_mem>>)
      %dma_wait3A = tpu.memref_slice %arg4[%mul3A_80] : memref<262144xi32, #tpu.memory_space<hbm>> -> memref<8192xi32, #tpu.memory_space<hbm>>
      %dma_wait3A_82 = tpu.memref_slice %arg4[%mul3A_80] : memref<262144xi32, #tpu.memory_space<hbm>> -> memref<8192xi32, #tpu.memory_space<hbm>>
      tpu.wait_dma2 semaphore(%run_scoped3A : memref<!tpu.dma_semaphore, #tpu.memory_space<semaphore_mem>>) src(%arg11 : memref<8192xi32, #tpu.memory_space<vmem>>) dst(%dma_wait3A_82 : memref<8192xi32, #tpu.memory_space<hbm>>)
      tpu.yield
    }) : () -> ()
    return
  }
}

module attributes {stable_mosaic.version = 14 : i64} {
  func.func @_layer_body(%arg0: i32, %arg1: memref<256x1024xf32, #tpu.memory_space<vmem>>, %arg2: memref<1024x1024xf32, #tpu.memory_space<vmem>>, %arg3: memref<1x1024xf32, #tpu.memory_space<vmem>>, %arg4: memref<256x1024xf32, #tpu.memory_space<vmem>>) attributes {dimension_semantics = [#tpu.dimension_semantics<arbitrary>], iteration_bounds = array<i64: 16>, scalar_prefetch = 0 : i64, scratch_operands = 0 : i64, tpu.core_type = #tpu.core_type<tc>, window_params = [{transform_indices = @transform_0, window_bounds = array<i64: 256, 1024>}, {pipeline_mode = #tpu.pipeline_mode<synchronous>, transform_indices = @transform_1, window_bounds = array<i64: 1024, 1024>}, {pipeline_mode = #tpu.pipeline_mode<synchronous>, transform_indices = @transform_2, window_bounds = array<i64: 1, 1024>}, {transform_indices = @transform_3, window_bounds = array<i64: 256, 1024>}]} {
    %get3A = arith.constant 0 : index
    %get3A_0 = arith.constant 0 : index
    %get3A_1 = vector.load %arg1[%get3A, %get3A_0] : memref<256x1024xf32, #tpu.memory_space<vmem>>, vector<256x1024xf32>
    %get3A_2 = arith.constant 0 : index
    %get3A_3 = arith.constant 0 : index
    %get3A_4 = vector.load %arg2[%get3A_2, %get3A_3] : memref<1024x1024xf32, #tpu.memory_space<vmem>>, vector<1024x1024xf32>
    %dot_general3A = arith.constant dense<0.000000e+00> : vector<256x1024xf32>
    %dot_general3A_5 = tpu.matmul %get3A_1, %get3A_4, %dot_general3A {dimension_numbers = #tpu.dot_dimension_numbers<[1], [1], [0], [0], [0, 0, 1, 0], [], []>, transpose_lhs_hint = false} : vector<256x1024xf32>, vector<1024x1024xf32>, vector<256x1024xf32> -> vector<256x1024xf32>
    %get3A_6 = arith.constant 0 : index
    %get3A_7 = arith.constant 0 : index
    %get3A_8 = vector.load %arg3[%get3A_6, %get3A_7] : memref<1x1024xf32, #tpu.memory_space<vmem>>, vector<1x1024xf32>
    %add3A = vector.broadcast %get3A_8 : vector<1x1024xf32> to vector<256x1024xf32>
    %add3A_9 = arith.addf %dot_general3A_5, %add3A : vector<256x1024xf32>
    %ge3A = arith.constant 0.000000e+00 : f32
    %ge3A_10 = vector.broadcast %ge3A : f32 to vector<256x1024xf32>
    %ge3A_11 = arith.cmpf oge, %add3A_9, %ge3A_10 : vector<256x1024xf32>
    %mul3A = arith.constant 0.00999999977 : f32
    %mul3A_12 = vector.broadcast %mul3A : f32 to vector<256x1024xf32>
    %mul3A_13 = arith.mulf %mul3A_12, %add3A_9 : vector<256x1024xf32>
    %select_n3A = arith.select %ge3A_11, %add3A_9, %mul3A_13 : vector<256x1024xi1>, vector<256x1024xf32>
    %swap3A = arith.constant 0 : index
    %swap3A_14 = arith.constant 0 : index
    %swap3A_15 = vector.load %arg4[%swap3A, %swap3A_14] : memref<256x1024xf32, #tpu.memory_space<vmem>>, vector<256x1024xf32>
    tpu.vector_store %arg4[%swap3A, %swap3A_14], %select_n3A {strides = array<i32>} : memref<256x1024xf32, #tpu.memory_space<vmem>>, vector<256x1024xf32>,
    return
  }
  func.func @transform_0(%arg0: i32) -> (i32, i32) {
    %c0_i32 = arith.constant 0 : i32
    %c0_i32_0 = arith.constant 0 : i32
    return %arg0, %c0_i32 : i32, i32
  }
  func.func @transform_1(%arg0: i32) -> (i32, i32) {
    %c0_i32 = arith.constant 0 : i32
    %c0_i32_0 = arith.constant 0 : i32
    %c0_i32_1 = arith.constant 0 : i32
    return %c0_i32, %c0_i32_0 : i32, i32
  }
  func.func @transform_2(%arg0: i32) -> (i32, i32) {
    %c0_i32 = arith.constant 0 : i32
    %c0_i32_0 = arith.constant 0 : i32
    %c0_i32_1 = arith.constant 0 : i32
    return %c0_i32, %c0_i32_0 : i32, i32
  }
  func.func @transform_3(%arg0: i32) -> (i32, i32) {
    %c0_i32 = arith.constant 0 : i32
    %c0_i32_0 = arith.constant 0 : i32
    return %arg0, %c0_i32 : i32, i32
  }
}

module attributes {stable_mosaic.version = 14 : i64} {
  func.func @_matvec_body(%arg0: i32, %arg1: memref<256x1024xf32, #tpu.memory_space<vmem>>, %arg2: memref<128x1024xf32, #tpu.memory_space<vmem>>, %arg3: memref<1x1xf32, #tpu.memory_space<smem>>, %arg4: memref<256x128xf32, #tpu.memory_space<vmem>>) attributes {dimension_semantics = [#tpu.dimension_semantics<arbitrary>], iteration_bounds = array<i64: 16>, scalar_prefetch = 0 : i64, scratch_operands = 0 : i64, tpu.core_type = #tpu.core_type<tc>, window_params = [{transform_indices = @transform_0, window_bounds = array<i64: 256, 1024>}, {pipeline_mode = #tpu.pipeline_mode<synchronous>, transform_indices = @transform_1, window_bounds = array<i64: 128, 1024>}, {transform_indices = @transform_2, window_bounds = array<i64: 1, 1>}, {transform_indices = @transform_3, window_bounds = array<i64: 256, 128>}]} {
    %get3A = arith.constant 0 : index
    %get3A_0 = arith.constant 0 : index
    %get3A_1 = vector.load %arg1[%get3A, %get3A_0] : memref<256x1024xf32, #tpu.memory_space<vmem>>, vector<256x1024xf32>
    %get3A_2 = arith.constant 0 : index
    %get3A_3 = arith.constant 0 : index
    %get3A_4 = vector.load %arg2[%get3A_2, %get3A_3] : memref<128x1024xf32, #tpu.memory_space<vmem>>, vector<128x1024xf32>
    %dot_general3A = arith.constant dense<0.000000e+00> : vector<256x128xf32>
    %dot_general3A_5 = tpu.matmul %get3A_1, %get3A_4, %dot_general3A {dimension_numbers = #tpu.dot_dimension_numbers<[1], [1], [0], [0], [0, 0, 1, 0], [], []>, transpose_lhs_hint = false} : vector<256x1024xf32>, vector<128x1024xf32>, vector<256x128xf32> -> vector<256x128xf32>
    %get3A_6 = arith.constant 0 : index
    %get3A_7 = arith.constant 0 : index
    %get3A_8 = memref.load %arg3[%get3A_6, %get3A_7] : memref<1x1xf32, #tpu.memory_space<smem>>
    %add3A = vector.broadcast %get3A_8 : f32 to vector<256x128xf32>
    %add3A_9 = arith.addf %dot_general3A_5, %add3A : vector<256x128xf32>
    %swap3A = arith.constant 0 : index
    %swap3A_10 = arith.constant 0 : index
    %swap3A_11 = vector.load %arg4[%swap3A, %swap3A_10] : memref<256x128xf32, #tpu.memory_space<vmem>>, vector<256x128xf32>
    tpu.vector_store %arg4[%swap3A, %swap3A_10], %add3A_9 {strides = array<i32>} : memref<256x128xf32, #tpu.memory_space<vmem>>, vector<256x128xf32>,
    return
  }
  func.func @transform_0(%arg0: i32) -> (i32, i32) {
    %c0_i32 = arith.constant 0 : i32
    %c0_i32_0 = arith.constant 0 : i32
    return %arg0, %c0_i32 : i32, i32
  }
  func.func @transform_1(%arg0: i32) -> (i32, i32) {
    %c0_i32 = arith.constant 0 : i32
    %c0_i32_0 = arith.constant 0 : i32
    %c0_i32_1 = arith.constant 0 : i32
    return %c0_i32, %c0_i32_0 : i32, i32
  }
  func.func @transform_2(%arg0: i32) -> (i32, i32) {
    %c0_i32 = arith.constant 0 : i32
    %c0_i32_0 = arith.constant 0 : i32
    %c0_i32_1 = arith.constant 0 : i32
    return %c0_i32, %c0_i32_0 : i32, i32
  }
  func.func @transform_3(%arg0: i32) -> (i32, i32) {
    %c0_i32 = arith.constant 0 : i32
    %c0_i32_0 = arith.constant 0 : i32
    return %arg0, %c0_i32 : i32, i32
  }
}

</mosaic_0001>

<sc_bundles>
// kernel: kernel.6.cloned.1.call-start
scs
__scs_entry_jumppad:
0x0: {  	(pc) =	sbr.rel $0x88, $3  }
0x1: {  	(tag) =	ssettag $0x0;
	lr =	simm.s32 $0x1  }
0x2: {  	[smem:$0x3F9A] =	sst lr;
	_ =	strace $0xD0000000  }
0x3: {  	_ = 	snop  }
0x4: {  	_ = 	snop  }
0x5: {  	_ = 	snop  }
0x6: {  	_ = 	snop  }
0x7: {  	_ = 	snop  }
__scs_overlays_trampoline_lowered:
0x8: {  	[smem:$0x3FA9] =	sst s0  }
0x9: {  	[smem:$0x3FAA] =	sst s1  }
0xa: {  	[smem:$0x3FAB] =	sst s2  }
0xb: {  	[smem:$0x3FAC] =	sst s3  }
0xc: {  	[smem:$0x3FAD] =	sst s4  }
0xd: {  	[smem:$0x3FAE] =	sst s5  }
0xe: {  	[smem:$0x3FAF] =	sst s6  }
0xf: {  	[smem:$0x3FB0] =	sst s7  }
0x10: {  	[smem:$0x3FB1] =	sst s8  }
0x11: {  	[smem:$0x3FB2] =	sst s9;
	s0 =	simm.s32 @!p0 $0x0  }
0x12: {  	s1 =	sld [smem:$0x3F98];
	s0 =	simm.s32 @p0 $0x1  }
0x13: {  	[smem:$0x3FB3] =	sst s0;
	s0 =	simm.s32 @!p1 $0x0  }
0x14: {  	s2 =	sld [smem:$0x3F97];
	s0 =	simm.s32 @p1 $0x1  }
0x15: {  	[smem:$0x3FB4] =	sst s0;
	s0 =	simm.s32 @!p2 $0x0  }
0x16: {  	s3 =	sld [smem:$0x3FDB];
	s0 =	simm.s32 @p2 $0x1  }
0x17: {  	s4 =	simm.s32 $0x1BF5;
	[smem:$0x3FB6] =	sst s0  }
0x18: {  	s0 =	sld [smem:$0x3F99];
	_ =	swait.ge [sflag:s4], $0x0  }
0x19: {  	s7 =	sld [smem:$0x3F9A]  }
0x1a: {  	s8 =	sadd.s32 $0xFFFFE003, lr  }
0x1b: {  	s9 =	sadd.s32 $0xFFFFFEF7, lr;
	s5 =	simm.s32 $0xFFFFFFFF;
	p2 =	slt.u32 s8, $0xFFFFF086  }
0x1c: {  	p1 =	slt.u32 s9, $0xF7A;
	s5 =	simm.s32 @!p2 $0x0  }
0x1d: {  	s5 =	simm.s32 @p1 $0x1;
	p0 =	seq.s32 s7, s2  }
0x1e: {  	s7 =	smul.u32 @!p0 $0xF7A, s2;
	p2 =	seq.s32 @!p0 s5, $0x0  }
0x1f: {  	s9 =	smul.u32 $0xF7A, s1;
	s8 =	simm.s32 @!p0 $0x1BF5;
	p2 =	por !p2, p0  }
0x20: {  	[sflag:s8] =	ssyncset.s32 @!p0 $0xFFFFF086;
	s6 =	sadd.s32 @!p0 s3, s7;
	s7 =	simm.s32 @!p0 $0x108  }
0x21: {  	s3 =	sadd.s32 s3, s9;
	s6 =	sadd.s32 @!p0 $0x88, s6;
	s7 =	simm.s32 @p2 $0x1082  }
0x22: {  	[simem:s7], [sflag:s8] =	dma.local @!p0 [hbm:s6], $0xF7A  }
0x23: {  	s9 =	sor.u32 $0xD0000000, s2;
	s6 =	simm.s32 $0x108;
	_ =	swait.ge @!p0 [sflag:s8], $0x0  }
0x24: {  	s3 =	sadd.s32 $0x88, s3;
	s6 =	simm.s32 @!p1 $0x1082;
	[sflag:s4] =	ssyncset.s32 $0xFFFFF086  }
0x25: {  	[simem:s6], [sflag:s4] =	dma.local [hbm:s3], $0xF7A  }
0x26: {  	[smem:$0x3F9A] =	sst s1;
	(tag) =	ssettag s2;
	_ =	strace s9  }
0x27: {  	s1 =	sld [smem:$0x3FAA]  }
0x28: {  	s2 =	sld [smem:$0x3FAB]  }
0x29: {  	s4 =	sld [smem:$0x3FAD]  }
0x2a: {  	p0 =	seq.s32 s5, $0x0;
	s5 =	sld [smem:$0x3FAE]  }
0x2b: {  	s6 =	sld [smem:$0x3FAF]  }
0x2c: {  	s7 =	sld [smem:$0x3FB0]  }
0x2d: {  	s3 =	simm.s32 $0x108;
	s8 =	sld [smem:$0x3FB1]  }
0x2e: {  	s3 =	simm.s32 @!p0 $0x1082;
	s9 =	sld [smem:$0x3FB2]  }
0x2f: {  	lr =	sadd.s32 s0, s3;
	s0 =	sld [smem:$0x3FA9]  }
0x30: {  	s3 =	sld [smem:$0x3FAC]  }
0x31: {  	[smem:$0x3FB5] =	sst s10  }
0x32: {  	s10 =	sld [smem:$0x3FB3];
	_ =	sdelay $0x3  }
0x33: {  	p0 =	seq.s32 s10, $0x1;
	s10 =	sld [smem:$0x3FB5];
	_ =	sdelay $0x3  }
0x34: {  	[smem:$0x3FB5] =	sst s10  }
0x35: {  	s10 =	sld [smem:$0x3FB4];
	_ =	sdelay $0x3  }
0x36: {  	p1 =	seq.s32 s10, $0x1;
	s10 =	sld [smem:$0x3FB5];
	_ =	sdelay $0x3  }
0x37: {  	[smem:$0x3FB5] =	sst s10  }
0x38: {  	s10 =	sld [smem:$0x3FB6]  }
0x39: {  	_ = 	snop;
	(pc) =	sbr.ind lr, $3  }
0x3a: {  	_ = 	snop  }
0x3b: {  	_ = 	snop  }
0x3c: {  	p2 =	seq.s32 s10, $0x1;
	s10 =	sld [smem:$0x3FB5]  }
0x3d: {  	_ =	shalt  }
0x3e: {  	_ =	shalt  }
0x3f: {  	_ =	shalt  }
0x40: {  	_ =	shalt  }
0x41: {  	_ =	shalt  }
0x42: {  	_ =	shalt  }
0x43: {  	_ =	shalt  }
0x44: {  	_ =	shalt  }
0x45: {  	_ =	shalt  }
0x46: {  	_ =	shalt  }
0x47: {  	_ =	shalt  }
0x48: {  	_ =	shalt  }
0x49: {  	_ =	shalt  }
0x4a: {  	_ =	shalt  }
0x4b: {  	_ =	shalt  }
0x4c: {  	_ =	shalt  }
0x4d: {  	_ =	shalt  }
0x4e: {  	_ =	shalt  }
0x4f: {  	_ =	shalt  }
0x50: {  	_ =	shalt  }
0x51: {  	_ =	shalt  }
0x52: {  	_ =	shalt  }
0x53: {  	_ =	shalt  }
0x54: {  	_ =	shalt  }
0x55: {  	_ =	shalt  }
0x56: {  	_ =	shalt  }
0x57: {  	_ =	shalt  }
0x58: {  	_ =	shalt  }
0x59: {  	_ =	shalt  }
0x5a: {  	_ =	shalt  }
0x5b: {  	_ =	shalt  }
0x5c: {  	_ =	shalt  }
0x5d: {  	_ =	shalt  }
0x5e: {  	_ =	shalt  }
0x5f: {  	_ =	shalt  }
0x60: {  	_ =	shalt  }
0x61: {  	_ =	shalt  }
0x62: {  	_ =	shalt  }
0x63: {  	_ =	shalt  }
0x64: {  	_ =	shalt  }
0x65: {  	_ =	shalt  }
0x66: {  	_ =	shalt  }
0x67: {  	_ =	shalt  }
0x68: {  	_ =	shalt  }
0x69: {  	_ =	shalt  }
0x6a: {  	_ =	shalt  }
0x6b: {  	_ =	shalt  }
0x6c: {  	_ =	shalt  }
0x6d: {  	_ =	shalt  }
0x6e: {  	_ =	shalt  }
0x6f: {  	_ =	shalt  }
0x70: {  	_ =	shalt  }
0x71: {  	_ =	shalt  }
0x72: {  	_ =	shalt  }
0x73: {  	_ =	shalt  }
0x74: {  	_ =	shalt  }
0x75: {  	_ =	shalt  }
0x76: {  	_ =	shalt  }
0x77: {  	_ =	shalt  }
0x78: {  	_ =	shalt  }
0x79: {  	_ =	shalt  }
0x7a: {  	_ =	shalt  }
0x7b: {  	_ =	shalt  }
0x7c: {  	_ =	shalt  }
0x7d: {  	_ =	shalt  }
0x7e: {  	_ =	shalt  }
0x7f: {  	_ =	shalt  }
0x80: {  	_ =	shalt  }
0x81: {  	_ =	shalt  }
0x82: {  	_ =	shalt  }
0x83: {  	_ =	shalt  }
0x84: {  	_ =	shalt  }
0x85: {  	_ =	shalt  }
0x86: {  	_ =	shalt  }
0x87: {  	_ =	shalt  }
.Lfunc_end0:
.L_simem_size_0:
called_computation_lowered:
.L_overlay_start_0:
0x88: {  	s2 =	sld [smem:$0x3FD9]  }
0x89: {  	s3 =	sld [smem:$0x3FFE];
	_ =	sdelay $0x1  }
0x8a: {  	s1 =	srdreg.scid  }
0x8b: {  	s0 =	sand.u32 $0x1, s1  }
0x8c: {  	s14 =	sshll.u32 s0, $0xA;
	s2 =	sadd.s32 s3, s2  }
0x8d: {  	s2 =	sadd.s32 s2, s14  }
0x8e: {  	[smem:$0x3FC1] =	sst s2  }
0x8f: {  	_ = 	snop  }
0x90: {  	s2 =	sld [smem:$0x3FD0];
	_ =	sdelay $0x2  }
0x91: {  	s15 =	simm.s32 $0xA;
	s4 =	simm.s32 $0x10  }
0x92: {  	[smem:s4], [sflag:s15] =	dma.local [hbm:s2], $0x1  }
0x93: {  	_ =	swait.eq [sflag:s15], $0x1  }
0x94: {  	[sflag:s15] =	ssyncset.done $0x0  }
0x95: {  	[sflag:s15] =	ssyncadd.s32 $0xFFFFFFFF  }
0x96: {  	s16 =	sld [smem:$0x11];
	(tm) =	ssettm $0x1  }
0x97: {  	s17 =	sld [smem:$0x3FFB];
	_ =	sdelay $0x3  }
0x98: {  	_ =	strace s17  }
0x99: {  	s3 =	sld [smem:$0x3FFC];
	_ =	sdelay $0x3  }
0x9a: {  	_ =	strace s3  }
0x9b: {  	s3 =	sld [smem:$0x3FFD];
	_ =	sdelay $0x3  }
0x9c: {  	_ =	strace s3  }
0x9d: {  	_ =	strace $0x8FFFFFFF  }
0x9e: {  	s18 =	sld [smem:$0x3FDB];
	_ =	sdelay $0x1  }
0x9f: {  	s19 =	simm.s32 $_scs_section_size  }
0xa0: {  	s5 =	simm.s32 $_size__tile_overlayer_lowered;
	s6 =	simm.s32 $_tile_overlayer_lowered  }
0xa1: {  	s22 =	simm.s32 $0x1BFF;
	s21 =	sshll.u32 s6, $0x1;
	s3 =	sadd.s32 s19, s18  }
0xa2: {  	s7 =	simm.s32 $0x0;
	s20 =	sshll.u32 s5, $0x1;
	s5 =	sadd.s32 s21, s3  }
0xa3: {  	[timem:s7], [sflag:s22] =	dma.local [hbm:s5], s20  }
0xa4: {  	_ =	swait.ge [sflag:s22], s20  }
0xa5: {  	s4 =	ssub.s32 $0x0, s20;
	[sflag:s22] =	ssyncset.done $0x0  }
0xa6: {  	[sflag:s22] =	ssyncadd.s32 s4;
	_ =	sdelay $0x1  }
0xa7: {  	s23 =	simm.s32 $0x1B8B  }
0xa8: {  	_ =	swait.ge [sflag:s23], $0x1  }
0xa9: {  	[sflag:s23] =	ssyncset.done $0x0  }
0xaa: {  	s25 =	simm.s32 $0x1B8E;
	s24 =	sld [smem:$0x3FFE];
	[sflag:s23] =	ssyncadd.s32 $0xFFFFFFFF  }
0xab: {  	s26 =	simm.s32 $execute0_lowered;
	[smem:$0x3FD2] =	sst s25  }
0xac: {  	s5 =	sshll.u32 s26, $0x1;
	_ =	strace $0x80000046;
	[dreg:$0x1] =	wrdreg $0xFFFFFFFF  }
0xad: {  	s28 =	simm.s32 $_size_execute0_lowered;
	s3 =	sadd.s32 s3, s5;
	[dreg:$0x0] =	wrdreg $0x0  }
0xae: {  	s5 =	sshll.u32 s28, $0x1;
	[dreg:$0x2] =	wrdreg s3  }
0xaf: {  	[dreg:$0x3] =	wrdreg s5  }
0xb0: {  	[dreg:$0x4] =	wrdreg $0xC0  }
0xb1: {  	_ =	task [dreg:s7], $0x5FFFF  }
0xb2: {  	[dreg:$0x1] =	wrdreg $0xFFFFFFFF  }
0xb3: {  	[dreg:$0x0] =	wrdreg $0x60  }
0xb4: {  	[dreg:$0x2] =	wrdreg s16  }
0xb5: {  	[dreg:$0x3] =	wrdreg s24  }
0xb6: {  	[dreg:$0x4] =	wrdreg $0x9  }
0xb7: {  	_ =	task.clear_ibuf [dreg:s7], $0x5FFFF;
	_ =	strace $0x90000046  }
0xb8: {  	s29 =	simm.s32 $0x9;
	_ =	strace $0x80000048  }
0xb9: {  	_ =	swait.ge [sflag:s29], $0x1  }
0xba: {  	[sflag:s29] =	ssyncadd.s32 $0xFFFFFFFF  }
0xbb: {  	_ =	strace $0x90000048  }
0xbc: {  	_ =	sfence  }
0xbd: {  	s30 =	sld [smem:$0x0];
	_ =	sdelay $0x2  }
0xbe: {  	s31 =	sshll.u32 s1, $0xD;
	s1 =	sshrl.u32 s1, $0x2  }
0xbf: {  	s3 =	sand.u32 $0x4000, s31;
	s1 =	sadd.s32 s1, s30  }
0xc0: {  	s0 =	sor.u32 s3, s0;
	s1 =	sshll.u32 s1, $0x11  }
0xc1: {  	s0 =	sor.u32 s1, s0  }
0xc2: {  	s0 =	sadd.s32 $0x8F2B, s0  }
0xc3: {  	[sflag:s0] =	ssyncadd.remote.s32 $0x1  }
0xc4: {  	_ =	sfence.sel $0xFFFF  }
0xc5: {  	[dreg:$0x0] =	wrdreg $0xFFFFFFFF;
	(pc) =	sbr.abs _section_cstart, $3  }
0xc6: {  	[dreg:$0x1] =	wrdreg $0xFFFFFFFF  }
0xc7: {  	_ =	task.clear_ibuf [dreg:s7], $0x2FFFF;
	_ =	strace $0x9FFFFFFF  }
0xc8: {  	(tm) =	ssettm $0x7FFFFFFF  }
0xc9: {  	_ =	shalt  }
tec
execute0_lowered:
.L_overlay_start_1:
0x0: {  	(tag) =	ssettag $0x1  }
0x1: {  	s0 =	srdreg.scid;
	s2 =	rddreg [dreg:$0x0]  }
0x2: {  	s4 =	rddreg [dreg:$0x1];
	s1 =	stileid.u32  }
0x3: {  	s3 =	simm.s32 $0x0;
	s7 =	sand.u32 $0x1, s0;
	s0 =	rddreg [dreg:$0x2]  }
0x4: {  	[smem:$0x7FF] =	sst s3;
	s9 =	sshll.u32 s1, $0x3  }
0x5: {  	s30 =	sshll.u32 s1, $0x7;
	s13 =	sshll.u32 s1, $0x9;
	s5 =	sshll.u32 s7, $0x4  }
0x6: {  	_ =	strace $0x80000047;
	s26 =	ssub.s32 $0x2, s7;
	s8 =	sshll.u32 s7, $0x7  }
0x7: {  	s29 =	sshll.u32 s7, $0xB;
	s12 =	sshll.u32 s7, $0xD;
	s10 =	sor.u32 s1, s5  }
0x8: {  	s6 =	sshrl.u32 s26, $0x1;
	s28 =	sor.u32 s9, s8;
	s8 =	sor.u32 s30, s29  }
.Ltmp0:
0x9: {  	s31 =	sor.u32 s13, s12;
	s12 =	simm.s32 $0x3280;
	(pc) =	sbr.rel .LBB2_1-.Ltmp0, $4  }
0xa: {  	s13 =	simm.s32 $0x0;
	s5 =	sshll.u32 s10, $0xA;
	s11 =	ssub.s32 s26, s6  }
0xb: {  	vm0 =	vcmask $0x300;
	v0 =	vimm.f32 $-Inf;
	s6 =	smax.u32 s28, $0x1;
	s9 =	sshrl.u32 s31, $0x2;
	p0 =	seq.s32 s10, $0x0  }
0xc: {  	v2 =	vimm.s32 $0x0;
	v3 =	vlaneseq.u32;
	v1 =	vsel vm0, $0x7F800000, v0;
	s10 =	simm.s32 $0x1;
	s5 =	sadd.s32 s5, s4;
	s7 =	smax.u32 s11, $0x1  }
0xd: {  	v4 =	vor.u32 $0x10, v3;
	v5 =	vor.u32 $0x20, v3;
	v6 =	vor.u32 $0x30, v3;
	s11 =	simm.s32 $0x1280;
	s4 =	sadd.s32 $0x1400, s5;
	s5 =	sadd.s32 $0x9400, s5  }
.LBB2_10:
0xe: {  	[hbm4b:s4+s3] =	stream.linear.scatter [tilespmem:s11], [sflag:$0x1], $0x2000, $0x38;
	[tilespmem:$0x5280] =	vst v63  }
0xf: {  	s13 =	sadd.s32 $0x1, s13;
	_ =	swait.ge [sflag:s10], $0x2000  }
0x10: {  	p1 =	sne.s32 s13, s7;
	[sflag:s10] =	ssyncset.done $0x0  }
.Ltmp1:
0x11: {  	[sflag:s10] =	ssyncadd.s32 $0xFFFFE000;
	(pc) =	sbr.rel @!p1 .LBB2_11-.Ltmp1, $4  }
0x12: {  	[hbm4b:s5+s3] =	stream.linear.scatter [tilespmem:s12], [sflag:$0x1], $0x2000, $0x38;
	[tilespmem:$0x5280] =	vst v63  }
0x13: {  	_ =	swait.ge [sflag:s10], $0x2000  }
0x14: {  	[sflag:s10] =	ssyncset.done $0x0  }
0x15: {  	[sflag:s10] =	ssyncadd.s32 $0xFFFFE000  }
.LBB2_1:
0x16: {  	[tilespmem:s3], [sflag:$0x1] =	stream.linear.gather [hbm4b:s2+s3], $0x1000, $0x38;
	[tilespmem:$0x5280] =	vst v63  }
0x17: {  	_ =	swait.ge [sflag:s10], $0x1000  }
0x18: {  	[sflag:s10] =	ssyncset.done $0x0  }
0x19: {  	[sflag:s10] =	ssyncadd.s32 $0xFFFFF000  }
0x1a: {  	[tilespmem:$0x1080] =	vst v1  }
0x1b: {  	[tilespmem:$0x1100] =	vst v2  }
0x1c: {  	[tilespmem:$0x1090] =	vst v0  }
0x1d: {  	[tilespmem:$0x1110] =	vst v2  }
0x1e: {  	[tilespmem:$0x10A0] =	vst v0  }
.Ltmp2:
0x1f: {  	[tilespmem:$0x1120] =	vst v2;
	(pc) =	sbr.rel @!p0 .LBB2_2-.Ltmp2, $4  }
0x20: {  	[tilespmem:$0x10B0] =	vst v0  }
0x21: {  	[tilespmem:$0x1130] =	vst v2  }
0x22: {  	[tilespmem:$0x10C0] =	vst v0  }
0x23: {  	s14 =	simm.s32 $0x0;
	[tilespmem:$0x1140] =	vst v2  }
.LBB2_6:
.Ltmp3:
0x24: {  	(pc) =	sbr.rel .LBB2_7-.Ltmp3, $2  }
0x25: {  	_ =	sdelay $0x2  }
0x26: {  	s14 =	simm.s32 $0x0;
	s15 =	smov.u32 s9;
	s16 =	smov.u32 s8  }
.LBB2_9:
0x27: {  	s14 =	sadd.s32 $0x100, s14  }
0x28: {  	p1 =	sne.s32 s14, $0x8000  }
.Ltmp4:
0x29: {  	_ = 	snop;
	(pc) =	sbr.rel @!p1 .LBB2_10-.Ltmp4, $2  }
0x2a: {  	_ =	sdelay $0x2  }
0x2b: {  	s16 =	sadd.s32 $0x1, s16;
	s15 =	sadd.s32 $0x1, s15  }
.LBB2_7:
0x2c: {  	v8 =	vld [tilespmem:s15+$0x0]  }
0x2d: {  	v9 =	vld [tilespmem:$0x1081]  }
0x2e: {  	v10 =	vld [tilespmem:$0x1101];
	_ =	sdelay $0x2  }
0x2f: {  	v7 =	vbroadcast v8, $0x0  }
0x30: {  	vm0 =	veq.f32 v9, $-Inf  }
0x31: {  	s17 =	sshra.s32 s14, $0x2;
	v11 =	vadd.f32 v9, v7;
	v9 =	vsel vm0, v3, v10  }
0x32: {  	[tilespmem:s17+$0x3280] =	vst v9  }
0x33: {  	[tilespmem:s17+$0x1280] =	vst v11  }
0x34: {  	v9 =	vld [tilespmem:$0x1091];
	_ =	sdelay $0x1  }
0x35: {  	v58 =	vld [tilespmem:$0x1111];
	_ =	sdelay $0x2  }
0x36: {  	v59 =	vadd.f32 v9, v7  }
0x37: {  	vm13 =	veq.f32 v9, $-Inf  }
0x38: {  	v9 =	vsel vm13, v4, v58;
	[tilespmem:s17+$0x1290] =	vst v59  }
0x39: {  	[tilespmem:s17+$0x3290] =	vst v9  }
0x3a: {  	v9 =	vld [tilespmem:$0x10A1];
	_ =	sdelay $0x1  }
0x3b: {  	v60 =	vld [tilespmem:$0x1121];
	_ =	sdelay $0x2  }
0x3c: {  	v61 =	vadd.f32 v9, v7  }
0x3d: {  	vm14 =	veq.f32 v9, $-Inf  }
0x3e: {  	v9 =	vsel vm14, v5, v60;
	[tilespmem:s17+$0x12A0] =	vst v61  }
0x3f: {  	[tilespmem:s17+$0x32A0] =	vst v9  }
0x40: {  	v9 =	vld [tilespmem:$0x10B1];
	_ =	sdelay $0x1  }
0x41: {  	v62 =	vld [tilespmem:$0x1131];
	_ =	sdelay $0x2  }
0x42: {  	v63 =	vadd.f32 v9, v7  }
0x43: {  	vm15 =	veq.f32 v9, $-Inf  }
0x44: {  	v9 =	vsel vm15, v6, v62;
	[tilespmem:s17+$0x12B0] =	vst v63  }
0x45: {  	[tilespmem:s17+$0x32B0] =	vst v9  }
0x46: {  	v9 =	vld [tilespmem:$0x10C0];
	_ =	sdelay $0x3  }
0x47: {  	(v2sf) =	vpush v8, $0x0  }
0x48: {  	(v2sf) =	vpush v9, $0x0;
	_ =	sdelay $0xd  }
0x49: {  	s31 =	spop (v2sf)  }
0x4a: {  	s18 =	spop (v2sf)  }
0x4b: {  	p1 =	sgt.f32 s31, s18  }
.Ltmp5:
0x4c: {  	_ = 	snop;
	(pc) =	sbr.rel @!p1 .LBB2_9-.Ltmp5, $1  }
0x4d: {  	_ =	sdelay $0x3  }
0x4e: {  	v8 =	vld [tilespmem:$0x1081]  }
0x4f: {  	v9 =	vld [tilespmem:$0x1080]  }
0x50: {  	v10 =	vld [tilespmem:$0x1100]  }
0x51: {  	v11 =	vld [tilespmem:$0x1101]  }
0x52: {  	v12 =	vld [tilespmem:$0x1091]  }
0x53: {  	v13 =	vld [tilespmem:$0x1090]  }
0x54: {  	v14 =	vld [tilespmem:$0x1111]  }
0x55: {  	v15 =	vld [tilespmem:$0x1110]  }
0x56: {  	v16 =	vld [tilespmem:$0x10A1]  }
0x57: {  	v17 =	vld [tilespmem:$0x1121]  }
0x58: {  	v18 =	vld [tilespmem:$0x10A0];
	vm0 =	veq.f32 v8, v7;
	vm1 =	veq.f32 v9, v7  }
0x59: {  	v19 =	vld [tilespmem:$0x10B0];
	vm2 =	vlt.s32 v10, s16;
	vm3 =	vlt.s32 v11, s16;
	vm6 =	vgt.f32 v9, v7  }
0x5a: {  	v20 =	vld [tilespmem:$0x1131];
	vm7 =	vgt.f32 v8, v7;
	v9 =	vmin.f32 v9, v7;
	vm8 =	vgt.f32 v12, v7  }
0x5b: {  	vm9 =	veq.f32 v12, v7;
	vm10 =	vlt.s32 v14, s16;
	vm11 =	veq.f32 v13, v7  }
0x5c: {  	vm12 =	vlt.s32 v15, s16;
	vm13 =	vgt.f32 v13, v7;
	vm14 =	veq.f32 v16, v7  }
0x5d: {  	v61 =	vld [tilespmem:$0x10B1];
	vm15 =	vlt.s32 v17, s16;
	v13 =	vmin.f32 v13, v7;
	v62 =	vmin.f32 v18, v7  }
0x5e: {  	v60 =	vld [tilespmem:$0x1120];
	vm1 =	vmand vm1, vm2;
	vm0 =	vmand vm0, vm3;
	vm2 =	vmand vm11, vm12  }
0x5f: {  	v21 =	vld [tilespmem:$0x1130];
	vm11 =	vlt.s32 v20, s16;
	vm12 =	veq.f32 v19, v7;
	vm1 =	vmor vm6, vm1  }
0x60: {  	vm0 =	vmor vm7, vm0;
	vm6 =	vgt.f32 v16, v7;
	vm7 =	veq.f32 v18, v7  }
0x61: {  	v10 =	vsel vm1, s16, v10;
	v8 =	vsel vm0, v8, v9;
	vm1 =	vmand vm9, vm10  }
0x62: {  	vm9 =	vgt.f32 v18, v7;
	vm10 =	veq.f32 v61, v7;
	v59 =	vsel vm0, v11, v10  }
0x63: {  	vm0 =	vmor vm8, vm1;
	vm1 =	vmor vm13, vm2;
	vm2 =	vmand vm14, vm15  }
0x64: {  	vm8 =	vlt.s32 v60, s16;
	vm13 =	vlt.s32 v21, s16;
	vm14 =	vgt.f32 v61, v7  }
0x65: {  	[tilespmem:$0x1081] =	vst v8;
	v15 =	vsel vm1, s16, v15;
	vm1 =	vmor vm6, vm2;
	vm2 =	vmand vm7, vm8  }
0x66: {  	vm15 =	vgt.f32 v19, v7;
	v12 =	vsel vm0, v12, v13;
	[tilespmem:$0x1101] =	vst v59;
	vm2 =	vmor vm9, vm2  }
0x67: {  	v8 =	vsel vm0, v14, v15;
	v13 =	vsel vm1, v16, v62;
	[tilespmem:$0x1091] =	vst v12;
	v10 =	vsel vm2, s16, v60  }
.Ltmp6:
0x68: {  	vm0 =	vmand vm10, vm11;
	[tilespmem:$0x1111] =	vst v8;
	v63 =	vsel vm1, v17, v10;
	vm1 =	vmand vm12, vm13;
	(pc) =	sbr.rel .LBB2_9-.Ltmp6, $4  }
0x69: {  	v7 =	vmin.f32 v19, v7;
	[tilespmem:$0x10A1] =	vst v13;
	vm0 =	vmor vm14, vm0;
	vm1 =	vmor vm15, vm1  }
0x6a: {  	v7 =	vsel vm0, v61, v7;
	[tilespmem:$0x1121] =	vst v63;
	v8 =	vsel vm1, s16, v21  }
0x6b: {  	[tilespmem:$0x10B1] =	vst v7;
	v8 =	vsel vm0, v20, v8  }
0x6c: {  	[tilespmem:$0x1131] =	vst v8  }
.LBB2_5:
0x6d: {  	s14 =	sadd.s32 $0x1, s14  }
0x6e: {  	p1 =	sne.s32 s14, s6  }
.Ltmp7:
0x6f: {  	_ = 	snop;
	(pc) =	sbr.rel @!p1 .LBB2_6-.Ltmp7, $1  }
0x70: {  	_ =	sdelay $0x3  }
.LBB2_2:
0x71: {  	s15 =	sshll.u32 s14, $0x4  }
0x72: {  	v7 =	vld [tilespmem:s15+$0x0];
	_ =	sdelay $0x3  }
0x73: {  	v8 =	vor.u32 s15, v3  }
0x74: {  	(xrf1) =	vsort.dscd.msk.f32 $0xffff, v7, v8;
	_ =	sdelay $0xd  }
0x75: {  	v7, v8, _ =	vpop (xrf1)  }
0x76: {  	[tilespmem:$0x1180] =	vst v7  }
0x77: {  	v7 =	vld [tilespmem:$0x1180]  }
0x78: {  	v9 =	vld [tilespmem:$0x10C0];
	_ =	sdelay $0x3  }
0x79: {  	(v2sf) =	vpush v7, $0x0  }
0x7a: {  	(v2sf) =	vpush v9, $0x0;
	_ =	sdelay $0xd  }
0x7b: {  	s31 =	spop (v2sf)  }
0x7c: {  	s16 =	spop (v2sf)  }
0x7d: {  	p1 =	sge.f32 s31, s16  }
.Ltmp8:
0x7e: {  	_ = 	snop;
	(pc) =	sbr.rel @!p1 .LBB2_5-.Ltmp8, $2  }
0x7f: {  	_ =	sdelay $0x2  }
0x80: {  	[tilespmem:$0x1200] =	vst v8  }
0x81: {  	s17 =	simm.s32 $0x0;
	s15 =	simm.s32 $0x1181;
	s16 =	simm.s32 $0x1200  }
.LBB2_4:
0x82: {  	v8 =	vld [tilespmem:$0x1081]  }
0x83: {  	v9 =	vld [tilespmem:$0x1080]  }
0x84: {  	v10 =	vld [tilespmem:$0x1100]  }
0x85: {  	v11 =	vld.msk [tilespmem:s16+$0x0 ss:$0x0], $0xffff  }
0x86: {  	v12 =	vld [tilespmem:$0x1101]  }
0x87: {  	v13 =	vld [tilespmem:$0x1091]  }
0x88: {  	v14 =	vld [tilespmem:$0x1090]  }
0x89: {  	v15 =	vld [tilespmem:$0x1111]  }
0x8a: {  	v16 =	vld [tilespmem:$0x1110]  }
0x8b: {  	v7 =	vbroadcast v7, $0x0;
	v17 =	vld [tilespmem:$0x10A1]  }
0x8c: {  	v18 =	vld [tilespmem:$0x1121]  }
0x8d: {  	v19 =	vld [tilespmem:$0x10A0];
	vm0 =	veq.f32 v8, v7;
	vm1 =	veq.f32 v9, v7  }
0x8e: {  	v20 =	vld [tilespmem:$0x10B0];
	vm2 =	vlt.s32 v10, v11;
	vm3 =	vlt.s32 v12, v11;
	vm6 =	vgt.f32 v9, v7  }
0x8f: {  	v21 =	vld [tilespmem:$0x1131];
	vm7 =	vgt.f32 v8, v7;
	v9 =	vmin.f32 v9, v7;
	vm8 =	vgt.f32 v13, v7  }
0x90: {  	vm9 =	veq.f32 v13, v7;
	vm10 =	vlt.s32 v15, v11;
	vm11 =	veq.f32 v14, v7  }
0x91: {  	vm12 =	vlt.s32 v16, v11;
	vm13 =	vgt.f32 v14, v7;
	vm14 =	veq.f32 v17, v7  }
0x92: {  	v61 =	vld [tilespmem:$0x10B1];
	vm15 =	vlt.s32 v18, v11;
	v14 =	vmin.f32 v14, v7;
	v62 =	vmin.f32 v19, v7  }
0x93: {  	v60 =	vld [tilespmem:$0x1120];
	vm1 =	vmand vm1, vm2;
	vm0 =	vmand vm0, vm3;
	vm2 =	vmand vm11, vm12  }
0x94: {  	v22 =	vld [tilespmem:$0x1130];
	vm11 =	vlt.s32 v21, v11;
	vm12 =	veq.f32 v20, v7;
	vm1 =	vmor vm6, vm1  }
0x95: {  	vm0 =	vmor vm7, vm0;
	vm6 =	vgt.f32 v17, v7;
	vm7 =	veq.f32 v19, v7  }
0x96: {  	v10 =	vsel vm1, v11, v10;
	v8 =	vsel vm0, v8, v9;
	vm1 =	vmand vm9, vm10  }
0x97: {  	vm9 =	vgt.f32 v19, v7;
	vm10 =	veq.f32 v61, v7;
	v59 =	vsel vm0, v12, v10  }
0x98: {  	vm0 =	vmor vm8, vm1;
	vm1 =	vmor vm13, vm2;
	vm2 =	vmand vm14, vm15  }
0x99: {  	vm8 =	vlt.s32 v60, v11;
	vm13 =	vlt.s32 v22, v11;
	vm14 =	vgt.f32 v61, v7  }
0x9a: {  	[tilespmem:$0x1081] =	vst v8;
	v16 =	vsel vm1, v11, v16;
	vm1 =	vmor vm6, vm2;
	vm2 =	vmand vm7, vm8  }
0x9b: {  	vm15 =	vgt.f32 v20, v7;
	v13 =	vsel vm0, v13, v14;
	[tilespmem:$0x1101] =	vst v59;
	vm2 =	vmor vm9, vm2  }
0x9c: {  	v8 =	vsel vm0, v15, v16;
	v14 =	vsel vm1, v17, v62;
	[tilespmem:$0x1091] =	vst v13;
	v10 =	vsel vm2, v11, v60  }
0x9d: {  	vm0 =	vmand vm10, vm11;
	[tilespmem:$0x1111] =	vst v8;
	v63 =	vsel vm1, v18, v10;
	vm1 =	vmand vm12, vm13  }
0x9e: {  	v7 =	vmin.f32 v20, v7;
	[tilespmem:$0x10A1] =	vst v14;
	vm0 =	vmor vm14, vm0;
	vm1 =	vmor vm15, vm1  }
0x9f: {  	v7 =	vsel vm0, v61, v7;
	[tilespmem:$0x1121] =	vst v63;
	v8 =	vsel vm1, v11, v22  }
0xa0: {  	[tilespmem:$0x10B1] =	vst v7;
	v8 =	vsel vm0, v21, v8  }
0xa1: {  	[tilespmem:$0x1131] =	vst v8  }
0xa2: {  	v7 =	vld [tilespmem:s15+$0x0]  }
0xa3: {  	v8 =	vld [tilespmem:$0x10C0];
	_ =	sdelay $0x3  }
0xa4: {  	(v2sf) =	vpush v7, $0x0  }
0xa5: {  	(v2sf) =	vpush v8, $0x0;
	_ =	sdelay $0xd  }
0xa6: {  	s18 =	spop (v2sf)  }
0xa7: {  	p1 =	sgt.u32 s17, $0xE;
	s19 =	spop (v2sf)  }
0xa8: {  	p2 =	sge.f32 @!p1 s18, s19;
	_ =	sdelay $0x1  }
0xa9: {  	p1 =	por p1, !p2  }
.Ltmp9:
0xaa: {  	_ = 	snop;
	(pc) =	sbr.rel @!p1 .LBB2_4-.Ltmp9, $2  }
0xab: {  	_ =	sdelay $0x2  }
0xac: {  	s17 =	sadd.s32 $0x1, s17;
	s16 =	sadd.s32 $0x1, s16;
	s15 =	sadd.s32 $0x1, s15  }
.Ltmp10:
0xad: {  	_ = 	snop;
	(pc) =	sbr.rel .LBB2_5-.Ltmp10, $1  }
0xae: {  	_ =	sdelay $0x3  }
.LBB2_11:
0xaf: {  	_ =	sfence.sel $0x180000  }
0xb0: {  	[bflag:$0x0] =	sbarrier.arrive $0xFFFF  }
0xb1: {  	p0 =	sne.s32 s1, $0x0;
	_ =	strace $0x90000047  }
0xb2: {  	s0 =	sadd.s32 @!p0 $0x100000, s0;
	[bflag:$0x2] =	sbarrier.arrive $0xFFFF  }
0xb3: {  	[sflag:s0] =	ssyncadd.tile.s32 @!p0 $0x1;
	_ =	shalt  }
.Lfunc_end2:
_tile_overlayer_lowered:
.L_overlay_start_2:
0xb4: {  	(tag) =	ssettag $0x2  }
0xb5: {  	s0 =	rddreg [dreg:$0x0];
	s2 =	stileid.u32  }
0xb6: {  	s1 =	rddreg [dreg:$0x1];
	p0 =	sne.s32 s2, $0x0  }
0xb7: {  	s3 =	rddreg [dreg:$0x2];
	[bflag:$0x3] =	sbarrier.arrive $0xFFFF;
	s2 =	simm.s32 @!p0 $0x1C01  }
0xb8: {  	[timem:s3], [sflag:s2] =	dma.local @!p0 [hbm:s0], s1  }
0xb9: {  	s0 =	simm.s32 @!p0 $0x1  }
0xba: {  	_ =	swait.ge @!p0 [sflag:s0], s1  }
0xbb: {  	s1 =	ssub.s32 @!p0 $0x0, s1;
	[sflag:s0] =	ssyncset.done @!p0 $0x0  }
0xbc: {  	[sflag:s0] =	ssyncadd.s32 @!p0 s1  }
0xbd: {  	[bflag:$0x3] =	sbarrier.arrive $0xFFFF  }
0xbe: {  	_ =	shalt  }

</sc_bundles>
